<compile_context>
chip_gen: v7x
topology: tpu7x:2x2x1
jax: 0.10.2.dev20260603
libtpu: 0.0.44.dev20260713+nightly
codegen_flags: <defaults>
</compile_context>

<pallas_src>
import functools

import jax
import jax.numpy as jnp
from jax import lax
from jax.experimental import pallas as pl
from jax.experimental.pallas import tpu as pltpu
from jax.experimental.pallas import tpu_sc as plsc

DROPOUT = 0.1
NC = 2
NS = 16
NW = NC * NS
LANES = 16

VOCAB = 1000000
D = 32
B = 16384
H = 50
BPW = B // NW
NTILE_E = D // 8
SLAB = NTILE_E * (B // 128) * 1024


def _sc_embed_dropout(weight, scale, idx_t):
    mesh = plsc.VectorSubcoreMesh(core_axis_name="c", subcore_axis_name="s")

    @functools.partial(
        pl.kernel,
        out_type=jax.ShapeDtypeStruct((H * SLAB,), jnp.float32),
        mesh=mesh,
        scratch_types=[
            pltpu.VMEM((H, BPW), jnp.int32),
            pltpu.VMEM((BPW,), jnp.float32),
            pltpu.VMEM((BPW, D), jnp.float32),
            pltpu.VMEM((BPW * D,), jnp.float32),
            pltpu.SemaphoreType.DMA,
            pltpu.SemaphoreType.DMA,
            pltpu.SemaphoreType.DMA,
        ],
        compiler_params=pltpu.CompilerParams(
            use_tc_tiling_on_sc=False, needs_layout_passes=False),
    )
    def run(tbl, scale_hbm, idx_hbm, out_hbm, idx_all, sc_v, rows_v, obuf,
            sem_w, sem_s, sem_o):
        wid = lax.axis_index("s") * NC + lax.axis_index("c")
        b0 = wid * BPW
        cb0 = b0 // 128
        ncb = BPW // 128
        lanes = jax.lax.iota(jnp.int32, LANES)
        perms = [lanes ^ s for s in (1, 2, 4, 8)]
        masks = [(lanes & s) == 0 for s in (1, 2, 4, 8)]
        gdn = lax.GatherDimensionNumbers(
            offset_dims=(), collapsed_slice_dims=(0,), start_index_map=(0,))

        def perm(x, ix):
            return lax.gather(x, ix[:, None], gdn, slice_sizes=(1,),
                              mode=lax.GatherScatterMode.PROMISE_IN_BOUNDS)

        def out_copies(h):
            base_o = h * SLAB + cb0 * 1024
            return [
                pltpu.make_async_copy(
                    obuf.at[pl.ds(re * (ncb * 1024), ncb * 1024)],
                    out_hbm.at[pl.ds(base_o + re * (B // 128) * 1024,
                                     ncb * 1024)],
                    sem_o)
                for re in range(NTILE_E)]

        pltpu.sync_copy(idx_hbm.at[:, pl.ds(b0, BPW)], idx_all)

        def h_body(h, carry):
            idx_v = idx_all.at[h]
            cp_w = pltpu.async_copy(tbl.at[idx_v], rows_v, sem_w)
            cp_s = pltpu.async_copy(scale_hbm.at[idx_v], sc_v, sem_s)
            cp_w.wait()
            cp_s.wait()

            @pl.when(h > 0)
            def _():
                for cp in out_copies(h):
                    cp.wait()

            @plsc.parallel_loop(0, BPW // LANES, 1, unroll=1)
            def g_body(g):
                bl = g * LANES
                scvec = sc_v[pl.ds(bl, LANES)]
                base = (bl // 128) * 1024 + (bl % 128)
                for half in range(D // LANES):
                    v = [rows_v[bl + j, pl.ds(half * LANES, LANES)]
                         for j in range(LANES)]
                    for st, s in enumerate((1, 2, 4, 8)):
                        ix, m = perms[st], masks[st]
                        for i in range(LANES):
                            if i & s:
                                continue
                            jj = i | s
                            a, b = v[i], v[jj]
                            ax = perm(a, ix)
                            bx = perm(b, ix)
                            v[i] = jnp.where(m, a, bx)
                            v[jj] = jnp.where(m, ax, b)
                    for el in range(LANES):
                        e = half * LANES + el
                        dst = ((e // 8) * (ncb * 1024) + (e % 8) * 128 + base)
                        obuf[pl.ds(dst, LANES)] = v[el] * scvec

            for cp in out_copies(h):
                cp.start()
            return carry

        lax.fori_loop(0, H, h_body, 0)
        for cp in out_copies(H - 1):
            cp.wait()

    return run(weight, scale, idx_t)


def kernel(weight, words):
    mask_key = jax.random.fold_in(jax.random.key(0), 1)
    keep = jax.random.bernoulli(
        mask_key, 1.0 - DROPOUT, (VOCAB, 1)).astype(weight.dtype)
    scale = (keep / (1.0 - DROPOUT)).reshape(VOCAB)

    idx_t = words.T.astype(jnp.int32)
    out_flat = _sc_embed_dropout(weight, scale, idx_t)
    t = out_flat.reshape(H, NTILE_E, B // 128, 8, 128)
    out = t.transpose(2, 4, 0, 1, 3).reshape(B, H, D)
    return out

# --- scband reference (transcript-rebuilt; emitter-appended) ---
"""Pipeline reference for scband-embedded-dropout-16973710754355 (READ-ONLY COPY).

The authoritative reference and input builder live on the scoring server;
editing this copy changes nothing except your own understanding.
"""

import jax, jax.numpy as jnp
import numpy as np

DROPOUT = 0.1
VOCAB = 1000000
EMBED_DIM = 32
BATCH = 16384
HIST = 50


def setup_inputs(seed: int = 0) -> dict:
    key = jax.random.key(seed)
    k1, k2 = jax.random.split(key)
    weight = jax.random.normal(k1, (VOCAB, EMBED_DIM), dtype=jnp.float32)
    words = jax.random.randint(k2, (BATCH, HIST), 0, VOCAB, dtype=jnp.int64 if jax.config.jax_enable_x64 else jnp.int32)
    return {"weight": weight, "words": words}


def reference(weight, words):
    # Embedded dropout: per-row (per-vocab-entry) bernoulli mask applied to the
    # embedding weight, rescaled by 1/(1 - dropout), then standard embedding lookup.
    mask_key = jax.random.fold_in(jax.random.key(0), 1)
    keep = jax.random.bernoulli(mask_key, 1.0 - DROPOUT, (weight.shape[0], 1)).astype(weight.dtype)
    masked_weight = weight * keep / (1.0 - DROPOUT)
    # scale is None, padding_idx is None (no special handling needed)
    return jnp.take(masked_weight, words, axis=0)

if __name__ == "__main__":
    import jax
    _d = setup_inputs()
    print(jax.jit(kernel)(*tuple(_d.values())))

</pallas_src>

<mosaic_0001>
#map = affine_map<(d0, d1) -> (0, 0)>
#map1 = affine_map<(d0, d1) -> (0)>
module attributes {stable_mosaic.version = 14 : i64} {
  func.func @run(%arg0: i32, %arg1: i32, %arg2: memref<1000000x32xf32, #tpu.memory_space<hbm>>, %arg3: memref<1000000xf32, #tpu.memory_space<hbm>>, %arg4: memref<50x16384xi32, #tpu.memory_space<hbm>>, %arg5: memref<26214400xf32, #tpu.memory_space<hbm>>, %arg6: memref<50x512xi32, #tpu.memory_space<vmem>>, %arg7: memref<512xf32, #tpu.memory_space<vmem>>, %arg8: memref<512x32xf32, #tpu.memory_space<vmem>>, %arg9: memref<16384xf32, #tpu.memory_space<vmem>>, %arg10: memref<!tpu.dma_semaphore, #tpu.memory_space<semaphore_mem>>, %arg11: memref<!tpu.dma_semaphore, #tpu.memory_space<semaphore_mem>>, %arg12: memref<!tpu.dma_semaphore, #tpu.memory_space<semaphore_mem>>) attributes {dimension_semantics = [#tpu.dimension_semantics<core_parallel>, #tpu.dimension_semantics<subcore_parallel>], iteration_bounds = array<i64: 2, 16>, scalar_prefetch = 0 : i64, scratch_operands = 7 : i64, tpu.core_type = #tpu.core_type<sc_vector_subcore>, window_params = [{transform_indices = #map}, {transform_indices = #map1}, {transform_indices = #map}, {transform_indices = #map1}]} {
    %mul3A = arith.constant 2 : i32
    %mul3A_0 = arith.muli %arg1, %mul3A : i32
    %add3A = arith.addi %mul3A_0, %arg0 : i32
    %mul3A_1 = arith.constant 512 : i32
    %mul3A_2 = arith.muli %add3A, %mul3A_1 : i32
    %jit3A = arith.constant 128 : i32
    %div3A = arith.divsi %mul3A_2, %jit3A : i32
    %sign3A = arith.constant 0 : i32
    %sign3A_3 = arith.cmpi sgt, %mul3A_2, %sign3A : i32
    %sign3A_4 = arith.extui %sign3A_3 : i1 to i32
    %sign3A_5 = arith.constant 0 : i32
    %sign3A_6 = arith.cmpi slt, %mul3A_2, %sign3A_5 : i32
    %sign3A_7 = arith.extui %sign3A_6 : i1 to i32
    %sign3A_8 = arith.subi %sign3A_4, %sign3A_7 : i32
    %sign3A_9 = arith.constant 0 : i32
    %sign3A_10 = arith.cmpi sgt, %jit3A, %sign3A_9 : i32
    %sign3A_11 = arith.extui %sign3A_10 : i1 to i32
    %sign3A_12 = arith.constant 0 : i32
    %sign3A_13 = arith.cmpi slt, %jit3A, %sign3A_12 : i32
    %sign3A_14 = arith.extui %sign3A_13 : i1 to i32
    %sign3A_15 = arith.subi %sign3A_11, %sign3A_14 : i32
    %ne3A = arith.cmpi ne, %sign3A_8, %sign3A_15 : i32
    %rem3A = arith.remsi %mul3A_2, %jit3A : i32
    %ne3A_16 = arith.constant 0 : i32
    %ne3A_17 = arith.cmpi ne, %rem3A, %ne3A_16 : i32
    %and3A = arith.andi %ne3A, %ne3A_17 : i1
    %sub3A = arith.constant 1 : i32
    %sub3A_18 = arith.subi %div3A, %sub3A : i32
    %select_n3A = arith.select %and3A, %sub3A_18, %div3A : i32
    %iota3A = tpu.iota {dimensions = array<i32: 0>} : vector<16xi32>
    %xor3A = arith.constant 1 : i32
    %xor3A_19 = vector.broadcast %xor3A : i32 to vector<16xi32>
    %xor3A_20 = arith.xori %iota3A, %xor3A_19 : vector<16xi32>
    %xor3A_21 = arith.constant 2 : i32
    %xor3A_22 = vector.broadcast %xor3A_21 : i32 to vector<16xi32>
    %xor3A_23 = arith.xori %iota3A, %xor3A_22 : vector<16xi32>
    %xor3A_24 = arith.constant 4 : i32
    %xor3A_25 = vector.broadcast %xor3A_24 : i32 to vector<16xi32>
    %xor3A_26 = arith.xori %iota3A, %xor3A_25 : vector<16xi32>
    %xor3A_27 = arith.constant 8 : i32
    %xor3A_28 = vector.broadcast %xor3A_27 : i32 to vector<16xi32>
    %xor3A_29 = arith.xori %iota3A, %xor3A_28 : vector<16xi32>
    %and3A_30 = arith.constant 1 : i32
    %and3A_31 = vector.broadcast %and3A_30 : i32 to vector<16xi32>
    %and3A_32 = arith.andi %iota3A, %and3A_31 : vector<16xi32>
    %eq3A = arith.constant 0 : i32
    %eq3A_33 = vector.broadcast %eq3A : i32 to vector<16xi32>
    %eq3A_34 = arith.cmpi eq, %and3A_32, %eq3A_33 : vector<16xi32>
    %and3A_35 = arith.constant 2 : i32
    %and3A_36 = vector.broadcast %and3A_35 : i32 to vector<16xi32>
    %and3A_37 = arith.andi %iota3A, %and3A_36 : vector<16xi32>
    %eq3A_38 = arith.constant 0 : i32
    %eq3A_39 = vector.broadcast %eq3A_38 : i32 to vector<16xi32>
    %eq3A_40 = arith.cmpi eq, %and3A_37, %eq3A_39 : vector<16xi32>
    %and3A_41 = arith.constant 4 : i32
    %and3A_42 = vector.broadcast %and3A_41 : i32 to vector<16xi32>
    %and3A_43 = arith.andi %iota3A, %and3A_42 : vector<16xi32>
    %eq3A_44 = arith.constant 0 : i32
    %eq3A_45 = vector.broadcast %eq3A_44 : i32 to vector<16xi32>
    %eq3A_46 = arith.cmpi eq, %and3A_43, %eq3A_45 : vector<16xi32>
    %and3A_47 = arith.constant 8 : i32
    %and3A_48 = vector.broadcast %and3A_47 : i32 to vector<16xi32>
    %and3A_49 = arith.andi %iota3A, %and3A_48 : vector<16xi32>
    %eq3A_50 = arith.constant 0 : i32
    %eq3A_51 = vector.broadcast %eq3A_50 : i32 to vector<16xi32>
    %eq3A_52 = arith.cmpi eq, %and3A_49, %eq3A_51 : vector<16xi32>
    "tpu.region"() ({
      %run_scoped3A = tpu.sem_alloc : memref<!tpu.dma_semaphore, #tpu.memory_space<semaphore_mem>>
      %dma_start3A = arith.constant 0 : i32
      %dma_start3A_93 = tpu.memref_slice %arg4[%dma_start3A, %mul3A_2] : memref<50x16384xi32, #tpu.memory_space<hbm>> -> memref<50x512xi32, #tpu.memory_space<hbm>>
      %dma_start3A_94 = arith.constant 0 : i32
      %dma_start3A_95 = tpu.memref_slice %arg4[%dma_start3A_94, %mul3A_2] : memref<50x16384xi32, #tpu.memory_space<hbm>> -> memref<50x512xi32, #tpu.memory_space<hbm>>
      tpu.enqueue_dma source(%dma_start3A_95 : memref<50x512xi32, #tpu.memory_space<hbm>>) target(%arg6 : memref<50x512xi32, #tpu.memory_space<vmem>>) target_semaphore(%run_scoped3A : memref<!tpu.dma_semaphore, #tpu.memory_space<semaphore_mem>>)
      %dma_wait3A_96 = arith.constant 0 : i32
      %dma_wait3A_97 = tpu.memref_slice %arg4[%dma_wait3A_96, %mul3A_2] : memref<50x16384xi32, #tpu.memory_space<hbm>> -> memref<50x512xi32, #tpu.memory_space<hbm>>
      %dma_wait3A_98 = arith.constant 0 : i32
      %dma_wait3A_99 = tpu.memref_slice %arg4[%dma_wait3A_98, %mul3A_2] : memref<50x16384xi32, #tpu.memory_space<hbm>> -> memref<50x512xi32, #tpu.memory_space<hbm>>
      tpu.wait_dma2 semaphore(%run_scoped3A : memref<!tpu.dma_semaphore, #tpu.memory_space<semaphore_mem>>) src(%dma_wait3A_99 : memref<50x512xi32, #tpu.memory_space<hbm>>) dst(%arg6 : memref<50x512xi32, #tpu.memory_space<vmem>>)
      tpu.yield
    }) : () -> ()
    %scan3A = arith.constant 0 : i32
    %scan3A_53 = arith.constant 0 : i32
    %scan3A_54 = arith.constant 50 : i32
    %scan3A_55 = arith.addi %scan3A_53, %scan3A_54 : i32
    %scan3A_56 = arith.constant 1 : i32
    scf.for %scan3A_93 = %scan3A_53 to %scan3A_55 step %scan3A_56  : i32 {
      %dma_start3A = arith.constant 0 : i32
      %dma_start3A_94 = tpu.memref_slice %arg6[%scan3A_93, %dma_start3A] : memref<50x512xi32, #tpu.memory_space<vmem>> -> memref<1x512xi32, #tpu.memory_space<vmem>>
      %dma_start3A_95 = tpu.memref_squeeze %dma_start3A_94 : memref<1x512xi32, #tpu.memory_space<vmem>> -> memref<512xi32, #tpu.memory_space<vmem>>
      %dma_start3A_96 = arith.constant 0 : i32
      %dma_start3A_97 = arith.constant 0 : i32
      %dma_start3A_98 = tpu.memref_slice %arg2[%dma_start3A_96, %dma_start3A_97] : memref<1000000x32xf32, #tpu.memory_space<hbm>> -> memref<1000000x32xf32, #tpu.memory_space<hbm>>
      tpu.enqueue_indirect_dma source(%dma_start3A_98 : memref<1000000x32xf32, #tpu.memory_space<hbm>>) target(%arg8 : memref<512x32xf32, #tpu.memory_space<vmem>>) offsets(%dma_start3A_95 : memref<512xi32, #tpu.memory_space<vmem>>) semaphore(%arg10 : memref<!tpu.dma_semaphore, #tpu.memory_space<semaphore_mem>>)
      %dma_start3A_99 = arith.constant 0 : i32
      %dma_start3A_100 = tpu.memref_slice %arg6[%scan3A_93, %dma_start3A_99] : memref<50x512xi32, #tpu.memory_space<vmem>> -> memref<1x512xi32, #tpu.memory_space<vmem>>
      %dma_start3A_101 = tpu.memref_squeeze %dma_start3A_100 : memref<1x512xi32, #tpu.memory_space<vmem>> -> memref<512xi32, #tpu.memory_space<vmem>>
      %dma_start3A_102 = arith.constant 0 : i32
      %dma_start3A_103 = tpu.memref_slice %arg3[%dma_start3A_102] : memref<1000000xf32, #tpu.memory_space<hbm>> -> memref<1000000xf32, #tpu.memory_space<hbm>>
      tpu.enqueue_indirect_dma source(%dma_start3A_103 : memref<1000000xf32, #tpu.memory_space<hbm>>) target(%arg7 : memref<512xf32, #tpu.memory_space<vmem>>) offsets(%dma_start3A_101 : memref<512xi32, #tpu.memory_space<vmem>>) semaphore(%arg11 : memref<!tpu.dma_semaphore, #tpu.memory_space<semaphore_mem>>)
      %dma_wait3A_104 = arith.constant 0 : i32
      %dma_wait3A_105 = tpu.memref_slice %arg6[%scan3A_93, %dma_wait3A_104] : memref<50x512xi32, #tpu.memory_space<vmem>> -> memref<1x512xi32, #tpu.memory_space<vmem>>
      %dma_wait3A_106 = tpu.memref_squeeze %dma_wait3A_105 : memref<1x512xi32, #tpu.memory_space<vmem>> -> memref<512xi32, #tpu.memory_space<vmem>>
      %dma_wait3A_107 = arith.constant 0 : i32
      %dma_wait3A_108 = arith.constant 0 : i32
      %dma_wait3A_109 = tpu.memref_slice %arg2[%dma_wait3A_107, %dma_wait3A_108] : memref<1000000x32xf32, #tpu.memory_space<hbm>> -> memref<1000000x32xf32, #tpu.memory_space<hbm>>
      tpu.wait_indirect_dma semaphore(%arg10 : memref<!tpu.dma_semaphore, #tpu.memory_space<semaphore_mem>>) src(%dma_wait3A_109 : memref<1000000x32xf32, #tpu.memory_space<hbm>>) dst(%arg8 : memref<512x32xf32, #tpu.memory_space<vmem>>)
      %dma_wait3A_110 = arith.constant 0 : i32
      %dma_wait3A_111 = tpu.memref_slice %arg6[%scan3A_93, %dma_wait3A_110] : memref<50x512xi32, #tpu.memory_space<vmem>> -> memref<1x512xi32, #tpu.memory_space<vmem>>
      %dma_wait3A_112 = tpu.memref_squeeze %dma_wait3A_111 : memref<1x512xi32, #tpu.memory_space<vmem>> -> memref<512xi32, #tpu.memory_space<vmem>>
      %dma_wait3A_113 = arith.constant 0 : i32
      %dma_wait3A_114 = tpu.memref_slice %arg3[%dma_wait3A_113] : memref<1000000xf32, #tpu.memory_space<hbm>> -> memref<1000000xf32, #tpu.memory_space<hbm>>
      tpu.wait_indirect_dma semaphore(%arg11 : memref<!tpu.dma_semaphore, #tpu.memory_space<semaphore_mem>>) src(%dma_wait3A_114 : memref<1000000xf32, #tpu.memory_space<hbm>>) dst(%arg7 : memref<512xf32, #tpu.memory_space<vmem>>)
      %gt3A = arith.constant 0 : i32
      %gt3A_115 = arith.cmpi sgt, %scan3A_93, %gt3A : i32
      %convert_element_type3A = arith.extui %gt3A_115 : i1 to i32
      %cond3A = arith.constant 0 : i32
      %cond3A_116 = arith.cmpi ne, %convert_element_type3A, %cond3A : i32
      scf.if %cond3A_116 {
        %mul3A_156 = arith.constant 524288 : i32
        %mul3A_157 = arith.muli %scan3A_93, %mul3A_156 : i32
        %mul3A_158 = arith.constant 1024 : i32
        %mul3A_159 = arith.muli %select_n3A, %mul3A_158 : i32
        %add3A_160 = arith.addi %mul3A_157, %mul3A_159 : i32
        %add3A_161 = arith.constant 0 : i32
        %add3A_162 = arith.addi %add3A_160, %add3A_161 : i32
        %add3A_163 = arith.constant 131072 : i32
        %add3A_164 = arith.addi %add3A_160, %add3A_163 : i32
        %add3A_165 = arith.constant 262144 : i32
        %add3A_166 = arith.addi %add3A_160, %add3A_165 : i32
        %add3A_167 = arith.constant 393216 : i32
        %add3A_168 = arith.addi %add3A_160, %add3A_167 : i32
        %dma_wait3A_169 = arith.constant 0 : i32
        %dma_wait3A_170 = tpu.memref_slice %arg9[%dma_wait3A_169] : memref<16384xf32, #tpu.memory_space<vmem>> -> memref<4096xf32, #tpu.memory_space<vmem>>
        %dma_wait3A_171 = tpu.memref_slice %arg5[%add3A_162] : memref<26214400xf32, #tpu.memory_space<hbm>> -> memref<4096xf32, #tpu.memory_space<hbm>>
        %dma_wait3A_172 = tpu.memref_slice %arg5[%add3A_162] : memref<26214400xf32, #tpu.memory_space<hbm>> -> memref<4096xf32, #tpu.memory_space<hbm>>
        %dma_wait3A_173 = arith.constant 0 : i32
        %dma_wait3A_174 = tpu.memref_slice %arg9[%dma_wait3A_173] : memref<16384xf32, #tpu.memory_space<vmem>> -> memref<4096xf32, #tpu.memory_space<vmem>>
        tpu.wait_dma2 semaphore(%arg12 : memref<!tpu.dma_semaphore, #tpu.memory_space<semaphore_mem>>) src(%dma_wait3A_174 : memref<4096xf32, #tpu.memory_space<vmem>>) dst(%dma_wait3A_172 : memref<4096xf32, #tpu.memory_space<hbm>>)
        %dma_wait3A_175 = arith.constant 4096 : i32
        %dma_wait3A_176 = tpu.memref_slice %arg9[%dma_wait3A_175] : memref<16384xf32, #tpu.memory_space<vmem>> -> memref<4096xf32, #tpu.memory_space<vmem>>
        %dma_wait3A_177 = tpu.memref_slice %arg5[%add3A_164] : memref<26214400xf32, #tpu.memory_space<hbm>> -> memref<4096xf32, #tpu.memory_space<hbm>>
        %dma_wait3A_178 = tpu.memref_slice %arg5[%add3A_164] : memref<26214400xf32, #tpu.memory_space<hbm>> -> memref<4096xf32, #tpu.memory_space<hbm>>
        %dma_wait3A_179 = arith.constant 4096 : i32
        %dma_wait3A_180 = tpu.memref_slice %arg9[%dma_wait3A_179] : memref<16384xf32, #tpu.memory_space<vmem>> -> memref<4096xf32, #tpu.memory_space<vmem>>
        tpu.wait_dma2 semaphore(%arg12 : memref<!tpu.dma_semaphore, #tpu.memory_space<semaphore_mem>>) src(%dma_wait3A_180 : memref<4096xf32, #tpu.memory_space<vmem>>) dst(%dma_wait3A_178 : memref<4096xf32, #tpu.memory_space<hbm>>)
        %dma_wait3A_181 = arith.constant 8192 : i32
        %dma_wait3A_182 = tpu.memref_slice %arg9[%dma_wait3A_181] : memref<16384xf32, #tpu.memory_space<vmem>> -> memref<4096xf32, #tpu.memory_space<vmem>>
        %dma_wait3A_183 = tpu.memref_slice %arg5[%add3A_166] : memref<26214400xf32, #tpu.memory_space<hbm>> -> memref<4096xf32, #tpu.memory_space<hbm>>
        %dma_wait3A_184 = tpu.memref_slice %arg5[%add3A_166] : memref<26214400xf32, #tpu.memory_space<hbm>> -> memref<4096xf32, #tpu.memory_space<hbm>>
        %dma_wait3A_185 = arith.constant 8192 : i32
        %dma_wait3A_186 = tpu.memref_slice %arg9[%dma_wait3A_185] : memref<16384xf32, #tpu.memory_space<vmem>> -> memref<4096xf32, #tpu.memory_space<vmem>>
        tpu.wait_dma2 semaphore(%arg12 : memref<!tpu.dma_semaphore, #tpu.memory_space<semaphore_mem>>) src(%dma_wait3A_186 : memref<4096xf32, #tpu.memory_space<vmem>>) dst(%dma_wait3A_184 : memref<4096xf32, #tpu.memory_space<hbm>>)
        %dma_wait3A_187 = arith.constant 12288 : i32
        %dma_wait3A_188 = tpu.memref_slice %arg9[%dma_wait3A_187] : memref<16384xf32, #tpu.memory_space<vmem>> -> memref<4096xf32, #tpu.memory_space<vmem>>
        %dma_wait3A_189 = tpu.memref_slice %arg5[%add3A_168] : memref<26214400xf32, #tpu.memory_space<hbm>> -> memref<4096xf32, #tpu.memory_space<hbm>>
        %dma_wait3A_190 = tpu.memref_slice %arg5[%add3A_168] : memref<26214400xf32, #tpu.memory_space<hbm>> -> memref<4096xf32, #tpu.memory_space<hbm>>
        %dma_wait3A_191 = arith.constant 12288 : i32
        %dma_wait3A_192 = tpu.memref_slice %arg9[%dma_wait3A_191] : memref<16384xf32, #tpu.memory_space<vmem>> -> memref<4096xf32, #tpu.memory_space<vmem>>
        tpu.wait_dma2 semaphore(%arg12 : memref<!tpu.dma_semaphore, #tpu.memory_space<semaphore_mem>>) src(%dma_wait3A_192 : memref<4096xf32, #tpu.memory_space<vmem>>) dst(%dma_wait3A_190 : memref<4096xf32, #tpu.memory_space<hbm>>)
      } else {
      }
      %parallel_loop3A = arith.constant 0 : i32
      %parallel_loop3A_117 = arith.constant 32 : i32
      %parallel_loop3A_118 = arith.constant 1 : i32
      scf.for %parallel_loop3A_156 = %parallel_loop3A to %parallel_loop3A_117 step %parallel_loop3A_118  : i32 {
        %parallel_loop3A_157 = arith.constant 16 : i32
        %parallel_loop3A_158 = arith.muli %parallel_loop3A_156, %parallel_loop3A_157 : i32
        %parallel_loop3A_159 = arith.index_cast %parallel_loop3A_158 : i32 to index
        %parallel_loop3A_160 = tpu.vector_load %arg7[%parallel_loop3A_159] {strides = array<i32>} : memref<512xf32, #tpu.memory_space<vmem>>, vector<16xf32>,
        %parallel_loop3A_161 = arith.constant 128 : i32
        %parallel_loop3A_162 = arith.divsi %parallel_loop3A_158, %parallel_loop3A_161 : i32
        %parallel_loop3A_163 = arith.constant 0 : i32
        %parallel_loop3A_164 = arith.cmpi sgt, %parallel_loop3A_158, %parallel_loop3A_163 : i32
        %parallel_loop3A_165 = arith.extui %parallel_loop3A_164 : i1 to i32
        %parallel_loop3A_166 = arith.constant 0 : i32
        %parallel_loop3A_167 = arith.cmpi slt, %parallel_loop3A_158, %parallel_loop3A_166 : i32
        %parallel_loop3A_168 = arith.extui %parallel_loop3A_167 : i1 to i32
        %parallel_loop3A_169 = arith.subi %parallel_loop3A_165, %parallel_loop3A_168 : i32
        %parallel_loop3A_170 = arith.constant 0 : i32
        %parallel_loop3A_171 = arith.cmpi sgt, %parallel_loop3A_161, %parallel_loop3A_170 : i32
        %parallel_loop3A_172 = arith.extui %parallel_loop3A_171 : i1 to i32
        %parallel_loop3A_173 = arith.constant 0 : i32
        %parallel_loop3A_174 = arith.cmpi slt, %parallel_loop3A_161, %parallel_loop3A_173 : i32
        %parallel_loop3A_175 = arith.extui %parallel_loop3A_174 : i1 to i32
        %parallel_loop3A_176 = arith.subi %parallel_loop3A_172, %parallel_loop3A_175 : i32
        %parallel_loop3A_177 = arith.cmpi ne, %parallel_loop3A_169, %parallel_loop3A_176 : i32
        %parallel_loop3A_178 = arith.remsi %parallel_loop3A_158, %parallel_loop3A_161 : i32
        %parallel_loop3A_179 = arith.constant 0 : i32
        %parallel_loop3A_180 = arith.cmpi ne, %parallel_loop3A_178, %parallel_loop3A_179 : i32
        %parallel_loop3A_181 = arith.andi %parallel_loop3A_177, %parallel_loop3A_180 : i1
        %parallel_loop3A_182 = arith.constant 1 : i32
        %parallel_loop3A_183 = arith.subi %parallel_loop3A_162, %parallel_loop3A_182 : i32
        %parallel_loop3A_184 = arith.select %parallel_loop3A_181, %parallel_loop3A_183, %parallel_loop3A_162 : i32
        %parallel_loop3A_185 = arith.constant 1024 : i32
        %parallel_loop3A_186 = arith.muli %parallel_loop3A_184, %parallel_loop3A_185 : i32
        %parallel_loop3A_187 = arith.constant 128 : i32
        %parallel_loop3A_188 = arith.constant 0 : i32
        %parallel_loop3A_189 = arith.cmpi eq, %parallel_loop3A_187, %parallel_loop3A_188 : i32
        %parallel_loop3A_190 = arith.constant 1 : i32
        %parallel_loop3A_191 = arith.select %parallel_loop3A_189, %parallel_loop3A_190, %parallel_loop3A_187 : i32
        %parallel_loop3A_192 = arith.remsi %parallel_loop3A_158, %parallel_loop3A_191 : i32
        %parallel_loop3A_193 = arith.constant 0 : i32
        %parallel_loop3A_194 = arith.cmpi ne, %parallel_loop3A_192, %parallel_loop3A_193 : i32
        %parallel_loop3A_195 = arith.constant 0 : i32
        %parallel_loop3A_196 = arith.cmpi slt, %parallel_loop3A_192, %parallel_loop3A_195 : i32
        %parallel_loop3A_197 = arith.constant 0 : i32
        %parallel_loop3A_198 = arith.cmpi slt, %parallel_loop3A_191, %parallel_loop3A_197 : i32
        %parallel_loop3A_199 = arith.xori %parallel_loop3A_196, %parallel_loop3A_198 : i1
        %parallel_loop3A_200 = arith.andi %parallel_loop3A_199, %parallel_loop3A_194 : i1
        %parallel_loop3A_201 = arith.addi %parallel_loop3A_192, %parallel_loop3A_191 : i32
        %parallel_loop3A_202 = arith.select %parallel_loop3A_200, %parallel_loop3A_201, %parallel_loop3A_192 : i32
        %parallel_loop3A_203 = arith.addi %parallel_loop3A_186, %parallel_loop3A_202 : i32
        %parallel_loop3A_204 = arith.constant 0 : i32
        %parallel_loop3A_205 = arith.addi %parallel_loop3A_158, %parallel_loop3A_204 : i32
        %parallel_loop3A_206 = arith.index_cast %parallel_loop3A_205 : i32 to index
        %parallel_loop3A_207 = arith.constant 0 : index
        %parallel_loop3A_208 = tpu.vector_load %arg8[%parallel_loop3A_206, %parallel_loop3A_207] {strides = array<i32>} : memref<512x32xf32, #tpu.memory_space<vmem>>, vector<16xf32>,
        %parallel_loop3A_209 = arith.constant 1 : i32
        %parallel_loop3A_210 = arith.addi %parallel_loop3A_158, %parallel_loop3A_209 : i32
        %parallel_loop3A_211 = arith.index_cast %parallel_loop3A_210 : i32 to index
        %parallel_loop3A_212 = arith.constant 0 : index
        %parallel_loop3A_213 = tpu.vector_load %arg8[%parallel_loop3A_211, %parallel_loop3A_212] {strides = array<i32>} : memref<512x32xf32, #tpu.memory_space<vmem>>, vector<16xf32>,
        %parallel_loop3A_214 = arith.constant 2 : i32
        %parallel_loop3A_215 = arith.addi %parallel_loop3A_158, %parallel_loop3A_214 : i32
        %parallel_loop3A_216 = arith.index_cast %parallel_loop3A_215 : i32 to index
        %parallel_loop3A_217 = arith.constant 0 : index
        %parallel_loop3A_218 = tpu.vector_load %arg8[%parallel_loop3A_216, %parallel_loop3A_217] {strides = array<i32>} : memref<512x32xf32, #tpu.memory_space<vmem>>, vector<16xf32>,
        %parallel_loop3A_219 = arith.constant 3 : i32
        %parallel_loop3A_220 = arith.addi %parallel_loop3A_158, %parallel_loop3A_219 : i32
        %parallel_loop3A_221 = arith.index_cast %parallel_loop3A_220 : i32 to index
        %parallel_loop3A_222 = arith.constant 0 : index
        %parallel_loop3A_223 = tpu.vector_load %arg8[%parallel_loop3A_221, %parallel_loop3A_222] {strides = array<i32>} : memref<512x32xf32, #tpu.memory_space<vmem>>, vector<16xf32>,
        %parallel_loop3A_224 = arith.constant 4 : i32
        %parallel_loop3A_225 = arith.addi %parallel_loop3A_158, %parallel_loop3A_224 : i32
        %parallel_loop3A_226 = arith.index_cast %parallel_loop3A_225 : i32 to index
        %parallel_loop3A_227 = arith.constant 0 : index
        %parallel_loop3A_228 = tpu.vector_load %arg8[%parallel_loop3A_226, %parallel_loop3A_227] {strides = array<i32>} : memref<512x32xf32, #tpu.memory_space<vmem>>, vector<16xf32>,
        %parallel_loop3A_229 = arith.constant 5 : i32
        %parallel_loop3A_230 = arith.addi %parallel_loop3A_158, %parallel_loop3A_229 : i32
        %parallel_loop3A_231 = arith.index_cast %parallel_loop3A_230 : i32 to index
        %parallel_loop3A_232 = arith.constant 0 : index
        %parallel_loop3A_233 = tpu.vector_load %arg8[%parallel_loop3A_231, %parallel_loop3A_232] {strides = array<i32>} : memref<512x32xf32, #tpu.memory_space<vmem>>, vector<16xf32>,
        %parallel_loop3A_234 = arith.constant 6 : i32
        %parallel_loop3A_235 = arith.addi %parallel_loop3A_158, %parallel_loop3A_234 : i32
        %parallel_loop3A_236 = arith.index_cast %parallel_loop3A_235 : i32 to index
        %parallel_loop3A_237 = arith.constant 0 : index
        %parallel_loop3A_238 = tpu.vector_load %arg8[%parallel_loop3A_236, %parallel_loop3A_237] {strides = array<i32>} : memref<512x32xf32, #tpu.memory_space<vmem>>, vector<16xf32>,
        %parallel_loop3A_239 = arith.constant 7 : i32
        %parallel_loop3A_240 = arith.addi %parallel_loop3A_158, %parallel_loop3A_239 : i32
        %parallel_loop3A_241 = arith.index_cast %parallel_loop3A_240 : i32 to index
        %parallel_loop3A_242 = arith.constant 0 : index
        %parallel_loop3A_243 = tpu.vector_load %arg8[%parallel_loop3A_241, %parallel_loop3A_242] {strides = array<i32>} : memref<512x32xf32, #tpu.memory_space<vmem>>, vector<16xf32>,
        %parallel_loop3A_244 = arith.constant 8 : i32
        %parallel_loop3A_245 = arith.addi %parallel_loop3A_158, %parallel_loop3A_244 : i32
        %parallel_loop3A_246 = arith.index_cast %parallel_loop3A_245 : i32 to index
        %parallel_loop3A_247 = arith.constant 0 : index
        %parallel_loop3A_248 = tpu.vector_load %arg8[%parallel_loop3A_246, %parallel_loop3A_247] {strides = array<i32>} : memref<512x32xf32, #tpu.memory_space<vmem>>, vector<16xf32>,
        %parallel_loop3A_249 = arith.constant 9 : i32
        %parallel_loop3A_250 = arith.addi %parallel_loop3A_158, %parallel_loop3A_249 : i32
        %parallel_loop3A_251 = arith.index_cast %parallel_loop3A_250 : i32 to index
        %parallel_loop3A_252 = arith.constant 0 : index
        %parallel_loop3A_253 = tpu.vector_load %arg8[%parallel_loop3A_251, %parallel_loop3A_252] {strides = array<i32>} : memref<512x32xf32, #tpu.memory_space<vmem>>, vector<16xf32>,
        %parallel_loop3A_254 = arith.constant 10 : i32
        %parallel_loop3A_255 = arith.addi %parallel_loop3A_158, %parallel_loop3A_254 : i32
        %parallel_loop3A_256 = arith.index_cast %parallel_loop3A_255 : i32 to index
        %parallel_loop3A_257 = arith.constant 0 : index
        %parallel_loop3A_258 = tpu.vector_load %arg8[%parallel_loop3A_256, %parallel_loop3A_257] {strides = array<i32>} : memref<512x32xf32, #tpu.memory_space<vmem>>, vector<16xf32>,
        %parallel_loop3A_259 = arith.constant 11 : i32
        %parallel_loop3A_260 = arith.addi %parallel_loop3A_158, %parallel_loop3A_259 : i32
        %parallel_loop3A_261 = arith.index_cast %parallel_loop3A_260 : i32 to index
        %parallel_loop3A_262 = arith.constant 0 : index
        %parallel_loop3A_263 = tpu.vector_load %arg8[%parallel_loop3A_261, %parallel_loop3A_262] {strides = array<i32>} : memref<512x32xf32, #tpu.memory_space<vmem>>, vector<16xf32>,
        %parallel_loop3A_264 = arith.constant 12 : i32
        %parallel_loop3A_265 = arith.addi %parallel_loop3A_158, %parallel_loop3A_264 : i32
        %parallel_loop3A_266 = arith.index_cast %parallel_loop3A_265 : i32 to index
        %parallel_loop3A_267 = arith.constant 0 : index
        %parallel_loop3A_268 = tpu.vector_load %arg8[%parallel_loop3A_266, %parallel_loop3A_267] {strides = array<i32>} : memref<512x32xf32, #tpu.memory_space<vmem>>, vector<16xf32>,
        %parallel_loop3A_269 = arith.constant 13 : i32
        %parallel_loop3A_270 = arith.addi %parallel_loop3A_158, %parallel_loop3A_269 : i32
        %parallel_loop3A_271 = arith.index_cast %parallel_loop3A_270 : i32 to index
        %parallel_loop3A_272 = arith.constant 0 : index
        %parallel_loop3A_273 = tpu.vector_load %arg8[%parallel_loop3A_271, %parallel_loop3A_272] {strides = array<i32>} : memref<512x32xf32, #tpu.memory_space<vmem>>, vector<16xf32>,
        %parallel_loop3A_274 = arith.constant 14 : i32
        %parallel_loop3A_275 = arith.addi %parallel_loop3A_158, %parallel_loop3A_274 : i32
        %parallel_loop3A_276 = arith.index_cast %parallel_loop3A_275 : i32 to index
        %parallel_loop3A_277 = arith.constant 0 : index
        %parallel_loop3A_278 = tpu.vector_load %arg8[%parallel_loop3A_276, %parallel_loop3A_277] {strides = array<i32>} : memref<512x32xf32, #tpu.memory_space<vmem>>, vector<16xf32>,
        %parallel_loop3A_279 = arith.constant 15 : i32
        %parallel_loop3A_280 = arith.addi %parallel_loop3A_158, %parallel_loop3A_279 : i32
        %parallel_loop3A_281 = arith.index_cast %parallel_loop3A_280 : i32 to index
        %parallel_loop3A_282 = arith.constant 0 : index
        %parallel_loop3A_283 = tpu.vector_load %arg8[%parallel_loop3A_281, %parallel_loop3A_282] {strides = array<i32>} : memref<512x32xf32, #tpu.memory_space<vmem>>, vector<16xf32>,
        %parallel_loop3A_284 = vector.shape_cast %xor3A_20 : vector<16xi32> to vector<16x1xi32>
        %parallel_loop3A_285 = vector.shape_cast %parallel_loop3A_284 : vector<16x1xi32> to vector<16xi32>
        %parallel_loop3A_286 = tpu.dynamic_gather %parallel_loop3A_208[%parallel_loop3A_285] in [0] : vector<16xf32>, vector<16xi32> -> vector<16xf32>
        %parallel_loop3A_287 = vector.shape_cast %xor3A_20 : vector<16xi32> to vector<16x1xi32>
        %parallel_loop3A_288 = vector.shape_cast %parallel_loop3A_287 : vector<16x1xi32> to vector<16xi32>
        %parallel_loop3A_289 = tpu.dynamic_gather %parallel_loop3A_213[%parallel_loop3A_288] in [0] : vector<16xf32>, vector<16xi32> -> vector<16xf32>
        %parallel_loop3A_290 = arith.select %eq3A_34, %parallel_loop3A_208, %parallel_loop3A_289 : vector<16xi1>, vector<16xf32>
        %parallel_loop3A_291 = arith.select %eq3A_34, %parallel_loop3A_286, %parallel_loop3A_213 : vector<16xi1>, vector<16xf32>
        %parallel_loop3A_292 = vector.shape_cast %xor3A_20 : vector<16xi32> to vector<16x1xi32>
        %parallel_loop3A_293 = vector.shape_cast %parallel_loop3A_292 : vector<16x1xi32> to vector<16xi32>
        %parallel_loop3A_294 = tpu.dynamic_gather %parallel_loop3A_218[%parallel_loop3A_293] in [0] : vector<16xf32>, vector<16xi32> -> vector<16xf32>
        %parallel_loop3A_295 = vector.shape_cast %xor3A_20 : vector<16xi32> to vector<16x1xi32>
        %parallel_loop3A_296 = vector.shape_cast %parallel_loop3A_295 : vector<16x1xi32> to vector<16xi32>
        %parallel_loop3A_297 = tpu.dynamic_gather %parallel_loop3A_223[%parallel_loop3A_296] in [0] : vector<16xf32>, vector<16xi32> -> vector<16xf32>
        %parallel_loop3A_298 = arith.select %eq3A_34, %parallel_loop3A_218, %parallel_loop3A_297 : vector<16xi1>, vector<16xf32>
        %parallel_loop3A_299 = arith.select %eq3A_34, %parallel_loop3A_294, %parallel_loop3A_223 : vector<16xi1>, vector<16xf32>
        %parallel_loop3A_300 = vector.shape_cast %xor3A_20 : vector<16xi32> to vector<16x1xi32>
        %parallel_loop3A_301 = vector.shape_cast %parallel_loop3A_300 : vector<16x1xi32> to vector<16xi32>
        %parallel_loop3A_302 = tpu.dynamic_gather %parallel_loop3A_228[%parallel_loop3A_301] in [0] : vector<16xf32>, vector<16xi32> -> vector<16xf32>
        %parallel_loop3A_303 = vector.shape_cast %xor3A_20 : vector<16xi32> to vector<16x1xi32>
        %parallel_loop3A_304 = vector.shape_cast %parallel_loop3A_303 : vector<16x1xi32> to vector<16xi32>
        %parallel_loop3A_305 = tpu.dynamic_gather %parallel_loop3A_233[%parallel_loop3A_304] in [0] : vector<16xf32>, vector<16xi32> -> vector<16xf32>
        %parallel_loop3A_306 = arith.select %eq3A_34, %parallel_loop3A_228, %parallel_loop3A_305 : vector<16xi1>, vector<16xf32>
        %parallel_loop3A_307 = arith.select %eq3A_34, %parallel_loop3A_302, %parallel_loop3A_233 : vector<16xi1>, vector<16xf32>
        %parallel_loop3A_308 = vector.shape_cast %xor3A_20 : vector<16xi32> to vector<16x1xi32>
        %parallel_loop3A_309 = vector.shape_cast %parallel_loop3A_308 : vector<16x1xi32> to vector<16xi32>
        %parallel_loop3A_310 = tpu.dynamic_gather %parallel_loop3A_238[%parallel_loop3A_309] in [0] : vector<16xf32>, vector<16xi32> -> vector<16xf32>
        %parallel_loop3A_311 = vector.shape_cast %xor3A_20 : vector<16xi32> to vector<16x1xi32>
        %parallel_loop3A_312 = vector.shape_cast %parallel_loop3A_311 : vector<16x1xi32> to vector<16xi32>
        %parallel_loop3A_313 = tpu.dynamic_gather %parallel_loop3A_243[%parallel_loop3A_312] in [0] : vector<16xf32>, vector<16xi32> -> vector<16xf32>
        %parallel_loop3A_314 = arith.select %eq3A_34, %parallel_loop3A_238, %parallel_loop3A_313 : vector<16xi1>, vector<16xf32>
        %parallel_loop3A_315 = arith.select %eq3A_34, %parallel_loop3A_310, %parallel_loop3A_243 : vector<16xi1>, vector<16xf32>
        %parallel_loop3A_316 = vector.shape_cast %xor3A_20 : vector<16xi32> to vector<16x1xi32>
        %parallel_loop3A_317 = vector.shape_cast %parallel_loop3A_316 : vector<16x1xi32> to vector<16xi32>
        %parallel_loop3A_318 = tpu.dynamic_gather %parallel_loop3A_248[%parallel_loop3A_317] in [0] : vector<16xf32>, vector<16xi32> -> vector<16xf32>
        %parallel_loop3A_319 = vector.shape_cast %xor3A_20 : vector<16xi32> to vector<16x1xi32>
        %parallel_loop3A_320 = vector.shape_cast %parallel_loop3A_319 : vector<16x1xi32> to vector<16xi32>
        %parallel_loop3A_321 = tpu.dynamic_gather %parallel_loop3A_253[%parallel_loop3A_320] in [0] : vector<16xf32>, vector<16xi32> -> vector<16xf32>
        %parallel_loop3A_322 = arith.select %eq3A_34, %parallel_loop3A_248, %parallel_loop3A_321 : vector<16xi1>, vector<16xf32>
        %parallel_loop3A_323 = arith.select %eq3A_34, %parallel_loop3A_318, %parallel_loop3A_253 : vector<16xi1>, vector<16xf32>
        %parallel_loop3A_324 = vector.shape_cast %xor3A_20 : vector<16xi32> to vector<16x1xi32>
        %parallel_loop3A_325 = vector.shape_cast %parallel_loop3A_324 : vector<16x1xi32> to vector<16xi32>
        %parallel_loop3A_326 = tpu.dynamic_gather %parallel_loop3A_258[%parallel_loop3A_325] in [0] : vector<16xf32>, vector<16xi32> -> vector<16xf32>
        %parallel_loop3A_327 = vector.shape_cast %xor3A_20 : vector<16xi32> to vector<16x1xi32>
        %parallel_loop3A_328 = vector.shape_cast %parallel_loop3A_327 : vector<16x1xi32> to vector<16xi32>
        %parallel_loop3A_329 = tpu.dynamic_gather %parallel_loop3A_263[%parallel_loop3A_328] in [0] : vector<16xf32>, vector<16xi32> -> vector<16xf32>
        %parallel_loop3A_330 = arith.select %eq3A_34, %parallel_loop3A_258, %parallel_loop3A_329 : vector<16xi1>, vector<16xf32>
        %parallel_loop3A_331 = arith.select %eq3A_34, %parallel_loop3A_326, %parallel_loop3A_263 : vector<16xi1>, vector<16xf32>
        %parallel_loop3A_332 = vector.shape_cast %xor3A_20 : vector<16xi32> to vector<16x1xi32>
        %parallel_loop3A_333 = vector.shape_cast %parallel_loop3A_332 : vector<16x1xi32> to vector<16xi32>
        %parallel_loop3A_334 = tpu.dynamic_gather %parallel_loop3A_268[%parallel_loop3A_333] in [0] : vector<16xf32>, vector<16xi32> -> vector<16xf32>
        %parallel_loop3A_335 = vector.shape_cast %xor3A_20 : vector<16xi32> to vector<16x1xi32>
        %parallel_loop3A_336 = vector.shape_cast %parallel_loop3A_335 : vector<16x1xi32> to vector<16xi32>
        %parallel_loop3A_337 = tpu.dynamic_gather %parallel_loop3A_273[%parallel_loop3A_336] in [0] : vector<16xf32>, vector<16xi32> -> vector<16xf32>
        %parallel_loop3A_338 = arith.select %eq3A_34, %parallel_loop3A_268, %parallel_loop3A_337 : vector<16xi1>, vector<16xf32>
        %parallel_loop3A_339 = arith.select %eq3A_34, %parallel_loop3A_334, %parallel_loop3A_273 : vector<16xi1>, vector<16xf32>
        %parallel_loop3A_340 = vector.shape_cast %xor3A_20 : vector<16xi32> to vector<16x1xi32>
        %parallel_loop3A_341 = vector.shape_cast %parallel_loop3A_340 : vector<16x1xi32> to vector<16xi32>
        %parallel_loop3A_342 = tpu.dynamic_gather %parallel_loop3A_278[%parallel_loop3A_341] in [0] : vector<16xf32>, vector<16xi32> -> vector<16xf32>
        %parallel_loop3A_343 = vector.shape_cast %xor3A_20 : vector<16xi32> to vector<16x1xi32>
        %parallel_loop3A_344 = vector.shape_cast %parallel_loop3A_343 : vector<16x1xi32> to vector<16xi32>
        %parallel_loop3A_345 = tpu.dynamic_gather %parallel_loop3A_283[%parallel_loop3A_344] in [0] : vector<16xf32>, vector<16xi32> -> vector<16xf32>
        %parallel_loop3A_346 = arith.select %eq3A_34, %parallel_loop3A_278, %parallel_loop3A_345 : vector<16xi1>, vector<16xf32>
        %parallel_loop3A_347 = arith.select %eq3A_34, %parallel_loop3A_342, %parallel_loop3A_283 : vector<16xi1>, vector<16xf32>
        %parallel_loop3A_348 = vector.shape_cast %xor3A_23 : vector<16xi32> to vector<16x1xi32>
        %parallel_loop3A_349 = vector.shape_cast %parallel_loop3A_348 : vector<16x1xi32> to vector<16xi32>
        %parallel_loop3A_350 = tpu.dynamic_gather %parallel_loop3A_290[%parallel_loop3A_349] in [0] : vector<16xf32>, vector<16xi32> -> vector<16xf32>
        %parallel_loop3A_351 = vector.shape_cast %xor3A_23 : vector<16xi32> to vector<16x1xi32>
        %parallel_loop3A_352 = vector.shape_cast %parallel_loop3A_351 : vector<16x1xi32> to vector<16xi32>
        %parallel_loop3A_353 = tpu.dynamic_gather %parallel_loop3A_298[%parallel_loop3A_352] in [0] : vector<16xf32>, vector<16xi32> -> vector<16xf32>
        %parallel_loop3A_354 = arith.select %eq3A_40, %parallel_loop3A_290, %parallel_loop3A_353 : vector<16xi1>, vector<16xf32>
        %parallel_loop3A_355 = arith.select %eq3A_40, %parallel_loop3A_350, %parallel_loop3A_298 : vector<16xi1>, vector<16xf32>
        %parallel_loop3A_356 = vector.shape_cast %xor3A_23 : vector<16xi32> to vector<16x1xi32>
        %parallel_loop3A_357 = vector.shape_cast %parallel_loop3A_356 : vector<16x1xi32> to vector<16xi32>
        %parallel_loop3A_358 = tpu.dynamic_gather %parallel_loop3A_291[%parallel_loop3A_357] in [0] : vector<16xf32>, vector<16xi32> -> vector<16xf32>
        %parallel_loop3A_359 = vector.shape_cast %xor3A_23 : vector<16xi32> to vector<16x1xi32>
        %parallel_loop3A_360 = vector.shape_cast %parallel_loop3A_359 : vector<16x1xi32> to vector<16xi32>
        %parallel_loop3A_361 = tpu.dynamic_gather %parallel_loop3A_299[%parallel_loop3A_360] in [0] : vector<16xf32>, vector<16xi32> -> vector<16xf32>
        %parallel_loop3A_362 = arith.select %eq3A_40, %parallel_loop3A_291, %parallel_loop3A_361 : vector<16xi1>, vector<16xf32>
        %parallel_loop3A_363 = arith.select %eq3A_40, %parallel_loop3A_358, %parallel_loop3A_299 : vector<16xi1>, vector<16xf32>
        %parallel_loop3A_364 = vector.shape_cast %xor3A_23 : vector<16xi32> to vector<16x1xi32>
        %parallel_loop3A_365 = vector.shape_cast %parallel_loop3A_364 : vector<16x1xi32> to vector<16xi32>
        %parallel_loop3A_366 = tpu.dynamic_gather %parallel_loop3A_306[%parallel_loop3A_365] in [0] : vector<16xf32>, vector<16xi32> -> vector<16xf32>
        %parallel_loop3A_367 = vector.shape_cast %xor3A_23 : vector<16xi32> to vector<16x1xi32>
        %parallel_loop3A_368 = vector.shape_cast %parallel_loop3A_367 : vector<16x1xi32> to vector<16xi32>
        %parallel_loop3A_369 = tpu.dynamic_gather %parallel_loop3A_314[%parallel_loop3A_368] in [0] : vector<16xf32>, vector<16xi32> -> vector<16xf32>
        %parallel_loop3A_370 = arith.select %eq3A_40, %parallel_loop3A_306, %parallel_loop3A_369 : vector<16xi1>, vector<16xf32>
        %parallel_loop3A_371 = arith.select %eq3A_40, %parallel_loop3A_366, %parallel_loop3A_314 : vector<16xi1>, vector<16xf32>
        %parallel_loop3A_372 = vector.shape_cast %xor3A_23 : vector<16xi32> to vector<16x1xi32>
        %parallel_loop3A_373 = vector.shape_cast %parallel_loop3A_372 : vector<16x1xi32> to vector<16xi32>
        %parallel_loop3A_374 = tpu.dynamic_gather %parallel_loop3A_307[%parallel_loop3A_373] in [0] : vector<16xf32>, vector<16xi32> -> vector<16xf32>
        %parallel_loop3A_375 = vector.shape_cast %xor3A_23 : vector<16xi32> to vector<16x1xi32>
        %parallel_loop3A_376 = vector.shape_cast %parallel_loop3A_375 : vector<16x1xi32> to vector<16xi32>
        %parallel_loop3A_377 = tpu.dynamic_gather %parallel_loop3A_315[%parallel_loop3A_376] in [0] : vector<16xf32>, vector<16xi32> -> vector<16xf32>
        %parallel_loop3A_378 = arith.select %eq3A_40, %parallel_loop3A_307, %parallel_loop3A_377 : vector<16xi1>, vector<16xf32>
        %parallel_loop3A_379 = arith.select %eq3A_40, %parallel_loop3A_374, %parallel_loop3A_315 : vector<16xi1>, vector<16xf32>
        %parallel_loop3A_380 = vector.shape_cast %xor3A_23 : vector<16xi32> to vector<16x1xi32>
        %parallel_loop3A_381 = vector.shape_cast %parallel_loop3A_380 : vector<16x1xi32> to vector<16xi32>
        %parallel_loop3A_382 = tpu.dynamic_gather %parallel_loop3A_322[%parallel_loop3A_381] in [0] : vector<16xf32>, vector<16xi32> -> vector<16xf32>
        %parallel_loop3A_383 = vector.shape_cast %xor3A_23 : vector<16xi32> to vector<16x1xi32>
        %parallel_loop3A_384 = vector.shape_cast %parallel_loop3A_383 : vector<16x1xi32> to vector<16xi32>
        %parallel_loop3A_385 = tpu.dynamic_gather %parallel_loop3A_330[%parallel_loop3A_384] in [0] : vector<16xf32>, vector<16xi32> -> vector<16xf32>
        %parallel_loop3A_386 = arith.select %eq3A_40, %parallel_loop3A_322, %parallel_loop3A_385 : vector<16xi1>, vector<16xf32>
        %parallel_loop3A_387 = arith.select %eq3A_40, %parallel_loop3A_382, %parallel_loop3A_330 : vector<16xi1>, vector<16xf32>
        %parallel_loop3A_388 = vector.shape_cast %xor3A_23 : vector<16xi32> to vector<16x1xi32>
        %parallel_loop3A_389 = vector.shape_cast %parallel_loop3A_388 : vector<16x1xi32> to vector<16xi32>
        %parallel_loop3A_390 = tpu.dynamic_gather %parallel_loop3A_323[%parallel_loop3A_389] in [0] : vector<16xf32>, vector<16xi32> -> vector<16xf32>
        %parallel_loop3A_391 = vector.shape_cast %xor3A_23 : vector<16xi32> to vector<16x1xi32>
        %parallel_loop3A_392 = vector.shape_cast %parallel_loop3A_391 : vector<16x1xi32> to vector<16xi32>
        %parallel_loop3A_393 = tpu.dynamic_gather %parallel_loop3A_331[%parallel_loop3A_392] in [0] : vector<16xf32>, vector<16xi32> -> vector<16xf32>
        %parallel_loop3A_394 = arith.select %eq3A_40, %parallel_loop3A_323, %parallel_loop3A_393 : vector<16xi1>, vector<16xf32>
        %parallel_loop3A_395 = arith.select %eq3A_40, %parallel_loop3A_390, %parallel_loop3A_331 : vector<16xi1>, vector<16xf32>
        %parallel_loop3A_396 = vector.shape_cast %xor3A_23 : vector<16xi32> to vector<16x1xi32>
        %parallel_loop3A_397 = vector.shape_cast %parallel_loop3A_396 : vector<16x1xi32> to vector<16xi32>
        %parallel_loop3A_398 = tpu.dynamic_gather %parallel_loop3A_338[%parallel_loop3A_397] in [0] : vector<16xf32>, vector<16xi32> -> vector<16xf32>
        %parallel_loop3A_399 = vector.shape_cast %xor3A_23 : vector<16xi32> to vector<16x1xi32>
        %parallel_loop3A_400 = vector.shape_cast %parallel_loop3A_399 : vector<16x1xi32> to vector<16xi32>
        %parallel_loop3A_401 = tpu.dynamic_gather %parallel_loop3A_346[%parallel_loop3A_400] in [0] : vector<16xf32>, vector<16xi32> -> vector<16xf32>
        %parallel_loop3A_402 = arith.select %eq3A_40, %parallel_loop3A_338, %parallel_loop3A_401 : vector<16xi1>, vector<16xf32>
        %parallel_loop3A_403 = arith.select %eq3A_40, %parallel_loop3A_398, %parallel_loop3A_346 : vector<16xi1>, vector<16xf32>
        %parallel_loop3A_404 = vector.shape_cast %xor3A_23 : vector<16xi32> to vector<16x1xi32>
        %parallel_loop3A_405 = vector.shape_cast %parallel_loop3A_404 : vector<16x1xi32> to vector<16xi32>
        %parallel_loop3A_406 = tpu.dynamic_gather %parallel_loop3A_339[%parallel_loop3A_405] in [0] : vector<16xf32>, vector<16xi32> -> vector<16xf32>
        %parallel_loop3A_407 = vector.shape_cast %xor3A_23 : vector<16xi32> to vector<16x1xi32>
        %parallel_loop3A_408 = vector.shape_cast %parallel_loop3A_407 : vector<16x1xi32> to vector<16xi32>
        %parallel_loop3A_409 = tpu.dynamic_gather %parallel_loop3A_347[%parallel_loop3A_408] in [0] : vector<16xf32>, vector<16xi32> -> vector<16xf32>
        %parallel_loop3A_410 = arith.select %eq3A_40, %parallel_loop3A_339, %parallel_loop3A_409 : vector<16xi1>, vector<16xf32>
        %parallel_loop3A_411 = arith.select %eq3A_40, %parallel_loop3A_406, %parallel_loop3A_347 : vector<16xi1>, vector<16xf32>
        %parallel_loop3A_412 = vector.shape_cast %xor3A_26 : vector<16xi32> to vector<16x1xi32>
        %parallel_loop3A_413 = vector.shape_cast %parallel_loop3A_412 : vector<16x1xi32> to vector<16xi32>
        %parallel_loop3A_414 = tpu.dynamic_gather %parallel_loop3A_354[%parallel_loop3A_413] in [0] : vector<16xf32>, vector<16xi32> -> vector<16xf32>
        %parallel_loop3A_415 = vector.shape_cast %xor3A_26 : vector<16xi32> to vector<16x1xi32>
        %parallel_loop3A_416 = vector.shape_cast %parallel_loop3A_415 : vector<16x1xi32> to vector<16xi32>
        %parallel_loop3A_417 = tpu.dynamic_gather %parallel_loop3A_370[%parallel_loop3A_416] in [0] : vector<16xf32>, vector<16xi32> -> vector<16xf32>
        %parallel_loop3A_418 = arith.select %eq3A_46, %parallel_loop3A_354, %parallel_loop3A_417 : vector<16xi1>, vector<16xf32>
        %parallel_loop3A_419 = arith.select %eq3A_46, %parallel_loop3A_414, %parallel_loop3A_370 : vector<16xi1>, vector<16xf32>
        %parallel_loop3A_420 = vector.shape_cast %xor3A_26 : vector<16xi32> to vector<16x1xi32>
        %parallel_loop3A_421 = vector.shape_cast %parallel_loop3A_420 : vector<16x1xi32> to vector<16xi32>
        %parallel_loop3A_422 = tpu.dynamic_gather %parallel_loop3A_362[%parallel_loop3A_421] in [0] : vector<16xf32>, vector<16xi32> -> vector<16xf32>
        %parallel_loop3A_423 = vector.shape_cast %xor3A_26 : vector<16xi32> to vector<16x1xi32>
        %parallel_loop3A_424 = vector.shape_cast %parallel_loop3A_423 : vector<16x1xi32> to vector<16xi32>
        %parallel_loop3A_425 = tpu.dynamic_gather %parallel_loop3A_378[%parallel_loop3A_424] in [0] : vector<16xf32>, vector<16xi32> -> vector<16xf32>
        %parallel_loop3A_426 = arith.select %eq3A_46, %parallel_loop3A_362, %parallel_loop3A_425 : vector<16xi1>, vector<16xf32>
        %parallel_loop3A_427 = arith.select %eq3A_46, %parallel_loop3A_422, %parallel_loop3A_378 : vector<16xi1>, vector<16xf32>
        %parallel_loop3A_428 = vector.shape_cast %xor3A_26 : vector<16xi32> to vector<16x1xi32>
        %parallel_loop3A_429 = vector.shape_cast %parallel_loop3A_428 : vector<16x1xi32> to vector<16xi32>
        %parallel_loop3A_430 = tpu.dynamic_gather %parallel_loop3A_355[%parallel_loop3A_429] in [0] : vector<16xf32>, vector<16xi32> -> vector<16xf32>
        %parallel_loop3A_431 = vector.shape_cast %xor3A_26 : vector<16xi32> to vector<16x1xi32>
        %parallel_loop3A_432 = vector.shape_cast %parallel_loop3A_431 : vector<16x1xi32> to vector<16xi32>
        %parallel_loop3A_433 = tpu.dynamic_gather %parallel_loop3A_371[%parallel_loop3A_432] in [0] : vector<16xf32>, vector<16xi32> -> vector<16xf32>
        %parallel_loop3A_434 = arith.select %eq3A_46, %parallel_loop3A_355, %parallel_loop3A_433 : vector<16xi1>, vector<16xf32>
        %parallel_loop3A_435 = arith.select %eq3A_46, %parallel_loop3A_430, %parallel_loop3A_371 : vector<16xi1>, vector<16xf32>
        %parallel_loop3A_436 = vector.shape_cast %xor3A_26 : vector<16xi32> to vector<16x1xi32>
        %parallel_loop3A_437 = vector.shape_cast %parallel_loop3A_436 : vector<16x1xi32> to vector<16xi32>
        %parallel_loop3A_438 = tpu.dynamic_gather %parallel_loop3A_363[%parallel_loop3A_437] in [0] : vector<16xf32>, vector<16xi32> -> vector<16xf32>
        %parallel_loop3A_439 = vector.shape_cast %xor3A_26 : vector<16xi32> to vector<16x1xi32>
        %parallel_loop3A_440 = vector.shape_cast %parallel_loop3A_439 : vector<16x1xi32> to vector<16xi32>
        %parallel_loop3A_441 = tpu.dynamic_gather %parallel_loop3A_379[%parallel_loop3A_440] in [0] : vector<16xf32>, vector<16xi32> -> vector<16xf32>
        %parallel_loop3A_442 = arith.select %eq3A_46, %parallel_loop3A_363, %parallel_loop3A_441 : vector<16xi1>, vector<16xf32>
        %parallel_loop3A_443 = arith.select %eq3A_46, %parallel_loop3A_438, %parallel_loop3A_379 : vector<16xi1>, vector<16xf32>
        %parallel_loop3A_444 = vector.shape_cast %xor3A_26 : vector<16xi32> to vector<16x1xi32>
        %parallel_loop3A_445 = vector.shape_cast %parallel_loop3A_444 : vector<16x1xi32> to vector<16xi32>
        %parallel_loop3A_446 = tpu.dynamic_gather %parallel_loop3A_386[%parallel_loop3A_445] in [0] : vector<16xf32>, vector<16xi32> -> vector<16xf32>
        %parallel_loop3A_447 = vector.shape_cast %xor3A_26 : vector<16xi32> to vector<16x1xi32>
        %parallel_loop3A_448 = vector.shape_cast %parallel_loop3A_447 : vector<16x1xi32> to vector<16xi32>
        %parallel_loop3A_449 = tpu.dynamic_gather %parallel_loop3A_402[%parallel_loop3A_448] in [0] : vector<16xf32>, vector<16xi32> -> vector<16xf32>
        %parallel_loop3A_450 = arith.select %eq3A_46, %parallel_loop3A_386, %parallel_loop3A_449 : vector<16xi1>, vector<16xf32>
        %parallel_loop3A_451 = arith.select %eq3A_46, %parallel_loop3A_446, %parallel_loop3A_402 : vector<16xi1>, vector<16xf32>
        %parallel_loop3A_452 = vector.shape_cast %xor3A_26 : vector<16xi32> to vector<16x1xi32>
        %parallel_loop3A_453 = vector.shape_cast %parallel_loop3A_452 : vector<16x1xi32> to vector<16xi32>
        %parallel_loop3A_454 = tpu.dynamic_gather %parallel_loop3A_394[%parallel_loop3A_453] in [0] : vector<16xf32>, vector<16xi32> -> vector<16xf32>
        %parallel_loop3A_455 = vector.shape_cast %xor3A_26 : vector<16xi32> to vector<16x1xi32>
        %parallel_loop3A_456 = vector.shape_cast %parallel_loop3A_455 : vector<16x1xi32> to vector<16xi32>
        %parallel_loop3A_457 = tpu.dynamic_gather %parallel_loop3A_410[%parallel_loop3A_456] in [0] : vector<16xf32>, vector<16xi32> -> vector<16xf32>
        %parallel_loop3A_458 = arith.select %eq3A_46, %parallel_loop3A_394, %parallel_loop3A_457 : vector<16xi1>, vector<16xf32>
        %parallel_loop3A_459 = arith.select %eq3A_46, %parallel_loop3A_454, %parallel_loop3A_410 : vector<16xi1>, vector<16xf32>
        %parallel_loop3A_460 = vector.shape_cast %xor3A_26 : vector<16xi32> to vector<16x1xi32>
        %parallel_loop3A_461 = vector.shape_cast %parallel_loop3A_460 : vector<16x1xi32> to vector<16xi32>
        %parallel_loop3A_462 = tpu.dynamic_gather %parallel_loop3A_387[%parallel_loop3A_461] in [0] : vector<16xf32>, vector<16xi32> -> vector<16xf32>
        %parallel_loop3A_463 = vector.shape_cast %xor3A_26 : vector<16xi32> to vector<16x1xi32>
        %parallel_loop3A_464 = vector.shape_cast %parallel_loop3A_463 : vector<16x1xi32> to vector<16xi32>
        %parallel_loop3A_465 = tpu.dynamic_gather %parallel_loop3A_403[%parallel_loop3A_464] in [0] : vector<16xf32>, vector<16xi32> -> vector<16xf32>
        %parallel_loop3A_466 = arith.select %eq3A_46, %parallel_loop3A_387, %parallel_loop3A_465 : vector<16xi1>, vector<16xf32>
        %parallel_loop3A_467 = arith.select %eq3A_46, %parallel_loop3A_462, %parallel_loop3A_403 : vector<16xi1>, vector<16xf32>
        %parallel_loop3A_468 = vector.shape_cast %xor3A_26 : vector<16xi32> to vector<16x1xi32>
        %parallel_loop3A_469 = vector.shape_cast %parallel_loop3A_468 : vector<16x1xi32> to vector<16xi32>
        %parallel_loop3A_470 = tpu.dynamic_gather %parallel_loop3A_395[%parallel_loop3A_469] in [0] : vector<16xf32>, vector<16xi32> -> vector<16xf32>
        %parallel_loop3A_471 = vector.shape_cast %xor3A_26 : vector<16xi32> to vector<16x1xi32>
        %parallel_loop3A_472 = vector.shape_cast %parallel_loop3A_471 : vector<16x1xi32> to vector<16xi32>
        %parallel_loop3A_473 = tpu.dynamic_gather %parallel_loop3A_411[%parallel_loop3A_472] in [0] : vector<16xf32>, vector<16xi32> -> vector<16xf32>
        %parallel_loop3A_474 = arith.select %eq3A_46, %parallel_loop3A_395, %parallel_loop3A_473 : vector<16xi1>, vector<16xf32>
        %parallel_loop3A_475 = arith.select %eq3A_46, %parallel_loop3A_470, %parallel_loop3A_411 : vector<16xi1>, vector<16xf32>
        %parallel_loop3A_476 = vector.shape_cast %xor3A_29 : vector<16xi32> to vector<16x1xi32>
        %parallel_loop3A_477 = vector.shape_cast %parallel_loop3A_476 : vector<16x1xi32> to vector<16xi32>
        %parallel_loop3A_478 = tpu.dynamic_gather %parallel_loop3A_418[%parallel_loop3A_477] in [0] : vector<16xf32>, vector<16xi32> -> vector<16xf32>
        %parallel_loop3A_479 = vector.shape_cast %xor3A_29 : vector<16xi32> to vector<16x1xi32>
        %parallel_loop3A_480 = vector.shape_cast %parallel_loop3A_479 : vector<16x1xi32> to vector<16xi32>
        %parallel_loop3A_481 = tpu.dynamic_gather %parallel_loop3A_450[%parallel_loop3A_480] in [0] : vector<16xf32>, vector<16xi32> -> vector<16xf32>
        %parallel_loop3A_482 = arith.select %eq3A_52, %parallel_loop3A_418, %parallel_loop3A_481 : vector<16xi1>, vector<16xf32>
        %parallel_loop3A_483 = arith.select %eq3A_52, %parallel_loop3A_478, %parallel_loop3A_450 : vector<16xi1>, vector<16xf32>
        %parallel_loop3A_484 = vector.shape_cast %xor3A_29 : vector<16xi32> to vector<16x1xi32>
        %parallel_loop3A_485 = vector.shape_cast %parallel_loop3A_484 : vector<16x1xi32> to vector<16xi32>
        %parallel_loop3A_486 = tpu.dynamic_gather %parallel_loop3A_426[%parallel_loop3A_485] in [0] : vector<16xf32>, vector<16xi32> -> vector<16xf32>
        %parallel_loop3A_487 = vector.shape_cast %xor3A_29 : vector<16xi32> to vector<16x1xi32>
        %parallel_loop3A_488 = vector.shape_cast %parallel_loop3A_487 : vector<16x1xi32> to vector<16xi32>
        %parallel_loop3A_489 = tpu.dynamic_gather %parallel_loop3A_458[%parallel_loop3A_488] in [0] : vector<16xf32>, vector<16xi32> -> vector<16xf32>
        %parallel_loop3A_490 = arith.select %eq3A_52, %parallel_loop3A_426, %parallel_loop3A_489 : vector<16xi1>, vector<16xf32>
        %parallel_loop3A_491 = arith.select %eq3A_52, %parallel_loop3A_486, %parallel_loop3A_458 : vector<16xi1>, vector<16xf32>
        %parallel_loop3A_492 = vector.shape_cast %xor3A_29 : vector<16xi32> to vector<16x1xi32>
        %parallel_loop3A_493 = vector.shape_cast %parallel_loop3A_492 : vector<16x1xi32> to vector<16xi32>
        %parallel_loop3A_494 = tpu.dynamic_gather %parallel_loop3A_434[%parallel_loop3A_493] in [0] : vector<16xf32>, vector<16xi32> -> vector<16xf32>
        %parallel_loop3A_495 = vector.shape_cast %xor3A_29 : vector<16xi32> to vector<16x1xi32>
        %parallel_loop3A_496 = vector.shape_cast %parallel_loop3A_495 : vector<16x1xi32> to vector<16xi32>
        %parallel_loop3A_497 = tpu.dynamic_gather %parallel_loop3A_466[%parallel_loop3A_496] in [0] : vector<16xf32>, vector<16xi32> -> vector<16xf32>
        %parallel_loop3A_498 = arith.select %eq3A_52, %parallel_loop3A_434, %parallel_loop3A_497 : vector<16xi1>, vector<16xf32>
        %parallel_loop3A_499 = arith.select %eq3A_52, %parallel_loop3A_494, %parallel_loop3A_466 : vector<16xi1>, vector<16xf32>
        %parallel_loop3A_500 = vector.shape_cast %xor3A_29 : vector<16xi32> to vector<16x1xi32>
        %parallel_loop3A_501 = vector.shape_cast %parallel_loop3A_500 : vector<16x1xi32> to vector<16xi32>
        %parallel_loop3A_502 = tpu.dynamic_gather %parallel_loop3A_442[%parallel_loop3A_501] in [0] : vector<16xf32>, vector<16xi32> -> vector<16xf32>
        %parallel_loop3A_503 = vector.shape_cast %xor3A_29 : vector<16xi32> to vector<16x1xi32>
        %parallel_loop3A_504 = vector.shape_cast %parallel_loop3A_503 : vector<16x1xi32> to vector<16xi32>
        %parallel_loop3A_505 = tpu.dynamic_gather %parallel_loop3A_474[%parallel_loop3A_504] in [0] : vector<16xf32>, vector<16xi32> -> vector<16xf32>
        %parallel_loop3A_506 = arith.select %eq3A_52, %parallel_loop3A_442, %parallel_loop3A_505 : vector<16xi1>, vector<16xf32>
        %parallel_loop3A_507 = arith.select %eq3A_52, %parallel_loop3A_502, %parallel_loop3A_474 : vector<16xi1>, vector<16xf32>
        %parallel_loop3A_508 = vector.shape_cast %xor3A_29 : vector<16xi32> to vector<16x1xi32>
        %parallel_loop3A_509 = vector.shape_cast %parallel_loop3A_508 : vector<16x1xi32> to vector<16xi32>
        %parallel_loop3A_510 = tpu.dynamic_gather %parallel_loop3A_419[%parallel_loop3A_509] in [0] : vector<16xf32>, vector<16xi32> -> vector<16xf32>
        %parallel_loop3A_511 = vector.shape_cast %xor3A_29 : vector<16xi32> to vector<16x1xi32>
        %parallel_loop3A_512 = vector.shape_cast %parallel_loop3A_511 : vector<16x1xi32> to vector<16xi32>
        %parallel_loop3A_513 = tpu.dynamic_gather %parallel_loop3A_451[%parallel_loop3A_512] in [0] : vector<16xf32>, vector<16xi32> -> vector<16xf32>
        %parallel_loop3A_514 = arith.select %eq3A_52, %parallel_loop3A_419, %parallel_loop3A_513 : vector<16xi1>, vector<16xf32>
        %parallel_loop3A_515 = arith.select %eq3A_52, %parallel_loop3A_510, %parallel_loop3A_451 : vector<16xi1>, vector<16xf32>
        %parallel_loop3A_516 = vector.shape_cast %xor3A_29 : vector<16xi32> to vector<16x1xi32>
        %parallel_loop3A_517 = vector.shape_cast %parallel_loop3A_516 : vector<16x1xi32> to vector<16xi32>
        %parallel_loop3A_518 = tpu.dynamic_gather %parallel_loop3A_427[%parallel_loop3A_517] in [0] : vector<16xf32>, vector<16xi32> -> vector<16xf32>
        %parallel_loop3A_519 = vector.shape_cast %xor3A_29 : vector<16xi32> to vector<16x1xi32>
        %parallel_loop3A_520 = vector.shape_cast %parallel_loop3A_519 : vector<16x1xi32> to vector<16xi32>
        %parallel_loop3A_521 = tpu.dynamic_gather %parallel_loop3A_459[%parallel_loop3A_520] in [0] : vector<16xf32>, vector<16xi32> -> vector<16xf32>
        %parallel_loop3A_522 = arith.select %eq3A_52, %parallel_loop3A_427, %parallel_loop3A_521 : vector<16xi1>, vector<16xf32>
        %parallel_loop3A_523 = arith.select %eq3A_52, %parallel_loop3A_518, %parallel_loop3A_459 : vector<16xi1>, vector<16xf32>
        %parallel_loop3A_524 = vector.shape_cast %xor3A_29 : vector<16xi32> to vector<16x1xi32>
        %parallel_loop3A_525 = vector.shape_cast %parallel_loop3A_524 : vector<16x1xi32> to vector<16xi32>
        %parallel_loop3A_526 = tpu.dynamic_gather %parallel_loop3A_435[%parallel_loop3A_525] in [0] : vector<16xf32>, vector<16xi32> -> vector<16xf32>
        %parallel_loop3A_527 = vector.shape_cast %xor3A_29 : vector<16xi32> to vector<16x1xi32>
        %parallel_loop3A_528 = vector.shape_cast %parallel_loop3A_527 : vector<16x1xi32> to vector<16xi32>
        %parallel_loop3A_529 = tpu.dynamic_gather %parallel_loop3A_467[%parallel_loop3A_528] in [0] : vector<16xf32>, vector<16xi32> -> vector<16xf32>
        %parallel_loop3A_530 = arith.select %eq3A_52, %parallel_loop3A_435, %parallel_loop3A_529 : vector<16xi1>, vector<16xf32>
        %parallel_loop3A_531 = arith.select %eq3A_52, %parallel_loop3A_526, %parallel_loop3A_467 : vector<16xi1>, vector<16xf32>
        %parallel_loop3A_532 = vector.shape_cast %xor3A_29 : vector<16xi32> to vector<16x1xi32>
        %parallel_loop3A_533 = vector.shape_cast %parallel_loop3A_532 : vector<16x1xi32> to vector<16xi32>
        %parallel_loop3A_534 = tpu.dynamic_gather %parallel_loop3A_443[%parallel_loop3A_533] in [0] : vector<16xf32>, vector<16xi32> -> vector<16xf32>
        %parallel_loop3A_535 = vector.shape_cast %xor3A_29 : vector<16xi32> to vector<16x1xi32>
        %parallel_loop3A_536 = vector.shape_cast %parallel_loop3A_535 : vector<16x1xi32> to vector<16xi32>
        %parallel_loop3A_537 = tpu.dynamic_gather %parallel_loop3A_475[%parallel_loop3A_536] in [0] : vector<16xf32>, vector<16xi32> -> vector<16xf32>
        %parallel_loop3A_538 = arith.select %eq3A_52, %parallel_loop3A_443, %parallel_loop3A_537 : vector<16xi1>, vector<16xf32>
        %parallel_loop3A_539 = arith.select %eq3A_52, %parallel_loop3A_534, %parallel_loop3A_475 : vector<16xi1>, vector<16xf32>
        %parallel_loop3A_540 = arith.constant 0 : i32
        %parallel_loop3A_541 = arith.addi %parallel_loop3A_540, %parallel_loop3A_203 : i32
        %parallel_loop3A_542 = arith.mulf %parallel_loop3A_482, %parallel_loop3A_160 : vector<16xf32>
        %parallel_loop3A_543 = arith.index_cast %parallel_loop3A_541 : i32 to index
        %parallel_loop3A_544 = tpu.vector_load %arg9[%parallel_loop3A_543] {strides = array<i32>} : memref<16384xf32, #tpu.memory_space<vmem>>, vector<16xf32>,
        tpu.vector_store %arg9[%parallel_loop3A_543], %parallel_loop3A_542 {strides = array<i32>} : memref<16384xf32, #tpu.memory_space<vmem>>, vector<16xf32>,
        %parallel_loop3A_545 = arith.constant 128 : i32
        %parallel_loop3A_546 = arith.addi %parallel_loop3A_545, %parallel_loop3A_203 : i32
        %parallel_loop3A_547 = arith.mulf %parallel_loop3A_490, %parallel_loop3A_160 : vector<16xf32>
        %parallel_loop3A_548 = arith.index_cast %parallel_loop3A_546 : i32 to index
        %parallel_loop3A_549 = tpu.vector_load %arg9[%parallel_loop3A_548] {strides = array<i32>} : memref<16384xf32, #tpu.memory_space<vmem>>, vector<16xf32>,
        tpu.vector_store %arg9[%parallel_loop3A_548], %parallel_loop3A_547 {strides = array<i32>} : memref<16384xf32, #tpu.memory_space<vmem>>, vector<16xf32>,
        %parallel_loop3A_550 = arith.constant 256 : i32
        %parallel_loop3A_551 = arith.addi %parallel_loop3A_550, %parallel_loop3A_203 : i32
        %parallel_loop3A_552 = arith.mulf %parallel_loop3A_498, %parallel_loop3A_160 : vector<16xf32>
        %parallel_loop3A_553 = arith.index_cast %parallel_loop3A_551 : i32 to index
        %parallel_loop3A_554 = tpu.vector_load %arg9[%parallel_loop3A_553] {strides = array<i32>} : memref<16384xf32, #tpu.memory_space<vmem>>, vector<16xf32>,
        tpu.vector_store %arg9[%parallel_loop3A_553], %parallel_loop3A_552 {strides = array<i32>} : memref<16384xf32, #tpu.memory_space<vmem>>, vector<16xf32>,
        %parallel_loop3A_555 = arith.constant 384 : i32
        %parallel_loop3A_556 = arith.addi %parallel_loop3A_555, %parallel_loop3A_203 : i32
        %parallel_loop3A_557 = arith.mulf %parallel_loop3A_506, %parallel_loop3A_160 : vector<16xf32>
        %parallel_loop3A_558 = arith.index_cast %parallel_loop3A_556 : i32 to index
        %parallel_loop3A_559 = tpu.vector_load %arg9[%parallel_loop3A_558] {strides = array<i32>} : memref<16384xf32, #tpu.memory_space<vmem>>, vector<16xf32>,
        tpu.vector_store %arg9[%parallel_loop3A_558], %parallel_loop3A_557 {strides = array<i32>} : memref<16384xf32, #tpu.memory_space<vmem>>, vector<16xf32>,
        %parallel_loop3A_560 = arith.constant 512 : i32
        %parallel_loop3A_561 = arith.addi %parallel_loop3A_560, %parallel_loop3A_203 : i32
        %parallel_loop3A_562 = arith.mulf %parallel_loop3A_514, %parallel_loop3A_160 : vector<16xf32>
        %parallel_loop3A_563 = arith.index_cast %parallel_loop3A_561 : i32 to index
        %parallel_loop3A_564 = tpu.vector_load %arg9[%parallel_loop3A_563] {strides = array<i32>} : memref<16384xf32, #tpu.memory_space<vmem>>, vector<16xf32>,
        tpu.vector_store %arg9[%parallel_loop3A_563], %parallel_loop3A_562 {strides = array<i32>} : memref<16384xf32, #tpu.memory_space<vmem>>, vector<16xf32>,
        %parallel_loop3A_565 = arith.constant 640 : i32
        %parallel_loop3A_566 = arith.addi %parallel_loop3A_565, %parallel_loop3A_203 : i32
        %parallel_loop3A_567 = arith.mulf %parallel_loop3A_522, %parallel_loop3A_160 : vector<16xf32>
        %parallel_loop3A_568 = arith.index_cast %parallel_loop3A_566 : i32 to index
        %parallel_loop3A_569 = tpu.vector_load %arg9[%parallel_loop3A_568] {strides = array<i32>} : memref<16384xf32, #tpu.memory_space<vmem>>, vector<16xf32>,
        tpu.vector_store %arg9[%parallel_loop3A_568], %parallel_loop3A_567 {strides = array<i32>} : memref<16384xf32, #tpu.memory_space<vmem>>, vector<16xf32>,
        %parallel_loop3A_570 = arith.constant 768 : i32
        %parallel_loop3A_571 = arith.addi %parallel_loop3A_570, %parallel_loop3A_203 : i32
        %parallel_loop3A_572 = arith.mulf %parallel_loop3A_530, %parallel_loop3A_160 : vector<16xf32>
        %parallel_loop3A_573 = arith.index_cast %parallel_loop3A_571 : i32 to index
        %parallel_loop3A_574 = tpu.vector_load %arg9[%parallel_loop3A_573] {strides = array<i32>} : memref<16384xf32, #tpu.memory_space<vmem>>, vector<16xf32>,
        tpu.vector_store %arg9[%parallel_loop3A_573], %parallel_loop3A_572 {strides = array<i32>} : memref<16384xf32, #tpu.memory_space<vmem>>, vector<16xf32>,
        %parallel_loop3A_575 = arith.constant 896 : i32
        %parallel_loop3A_576 = arith.addi %parallel_loop3A_575, %parallel_loop3A_203 : i32
        %parallel_loop3A_577 = arith.mulf %parallel_loop3A_538, %parallel_loop3A_160 : vector<16xf32>
        %parallel_loop3A_578 = arith.index_cast %parallel_loop3A_576 : i32 to index
        %parallel_loop3A_579 = tpu.vector_load %arg9[%parallel_loop3A_578] {strides = array<i32>} : memref<16384xf32, #tpu.memory_space<vmem>>, vector<16xf32>,
        tpu.vector_store %arg9[%parallel_loop3A_578], %parallel_loop3A_577 {strides = array<i32>} : memref<16384xf32, #tpu.memory_space<vmem>>, vector<16xf32>,
        %parallel_loop3A_580 = arith.constant 4096 : i32
        %parallel_loop3A_581 = arith.addi %parallel_loop3A_580, %parallel_loop3A_203 : i32
        %parallel_loop3A_582 = arith.mulf %parallel_loop3A_483, %parallel_loop3A_160 : vector<16xf32>
        %parallel_loop3A_583 = arith.index_cast %parallel_loop3A_581 : i32 to index
        %parallel_loop3A_584 = tpu.vector_load %arg9[%parallel_loop3A_583] {strides = array<i32>} : memref<16384xf32, #tpu.memory_space<vmem>>, vector<16xf32>,
        tpu.vector_store %arg9[%parallel_loop3A_583], %parallel_loop3A_582 {strides = array<i32>} : memref<16384xf32, #tpu.memory_space<vmem>>, vector<16xf32>,
        %parallel_loop3A_585 = arith.constant 4224 : i32
        %parallel_loop3A_586 = arith.addi %parallel_loop3A_585, %parallel_loop3A_203 : i32
        %parallel_loop3A_587 = arith.mulf %parallel_loop3A_491, %parallel_loop3A_160 : vector<16xf32>
        %parallel_loop3A_588 = arith.index_cast %parallel_loop3A_586 : i32 to index
        %parallel_loop3A_589 = tpu.vector_load %arg9[%parallel_loop3A_588] {strides = array<i32>} : memref<16384xf32, #tpu.memory_space<vmem>>, vector<16xf32>,
        tpu.vector_store %arg9[%parallel_loop3A_588], %parallel_loop3A_587 {strides = array<i32>} : memref<16384xf32, #tpu.memory_space<vmem>>, vector<16xf32>,
        %parallel_loop3A_590 = arith.constant 4352 : i32
        %parallel_loop3A_591 = arith.addi %parallel_loop3A_590, %parallel_loop3A_203 : i32
        %parallel_loop3A_592 = arith.mulf %parallel_loop3A_499, %parallel_loop3A_160 : vector<16xf32>
        %parallel_loop3A_593 = arith.index_cast %parallel_loop3A_591 : i32 to index
        %parallel_loop3A_594 = tpu.vector_load %arg9[%parallel_loop3A_593] {strides = array<i32>} : memref<16384xf32, #tpu.memory_space<vmem>>, vector<16xf32>,
        tpu.vector_store %arg9[%parallel_loop3A_593], %parallel_loop3A_592 {strides = array<i32>} : memref<16384xf32, #tpu.memory_space<vmem>>, vector<16xf32>,
        %parallel_loop3A_595 = arith.constant 4480 : i32
        %parallel_loop3A_596 = arith.addi %parallel_loop3A_595, %parallel_loop3A_203 : i32
        %parallel_loop3A_597 = arith.mulf %parallel_loop3A_507, %parallel_loop3A_160 : vector<16xf32>
        %parallel_loop3A_598 = arith.index_cast %parallel_loop3A_596 : i32 to index
        %parallel_loop3A_599 = tpu.vector_load %arg9[%parallel_loop3A_598] {strides = array<i32>} : memref<16384xf32, #tpu.memory_space<vmem>>, vector<16xf32>,
        tpu.vector_store %arg9[%parallel_loop3A_598], %parallel_loop3A_597 {strides = array<i32>} : memref<16384xf32, #tpu.memory_space<vmem>>, vector<16xf32>,
        %parallel_loop3A_600 = arith.constant 4608 : i32
        %parallel_loop3A_601 = arith.addi %parallel_loop3A_600, %parallel_loop3A_203 : i32
        %parallel_loop3A_602 = arith.mulf %parallel_loop3A_515, %parallel_loop3A_160 : vector<16xf32>
        %parallel_loop3A_603 = arith.index_cast %parallel_loop3A_601 : i32 to index
        %parallel_loop3A_604 = tpu.vector_load %arg9[%parallel_loop3A_603] {strides = array<i32>} : memref<16384xf32, #tpu.memory_space<vmem>>, vector<16xf32>,
        tpu.vector_store %arg9[%parallel_loop3A_603], %parallel_loop3A_602 {strides = array<i32>} : memref<16384xf32, #tpu.memory_space<vmem>>, vector<16xf32>,
        %parallel_loop3A_605 = arith.constant 4736 : i32
        %parallel_loop3A_606 = arith.addi %parallel_loop3A_605, %parallel_loop3A_203 : i32
        %parallel_loop3A_607 = arith.mulf %parallel_loop3A_523, %parallel_loop3A_160 : vector<16xf32>
        %parallel_loop3A_608 = arith.index_cast %parallel_loop3A_606 : i32 to index
        %parallel_loop3A_609 = tpu.vector_load %arg9[%parallel_loop3A_608] {strides = array<i32>} : memref<16384xf32, #tpu.memory_space<vmem>>, vector<16xf32>,
        tpu.vector_store %arg9[%parallel_loop3A_608], %parallel_loop3A_607 {strides = array<i32>} : memref<16384xf32, #tpu.memory_space<vmem>>, vector<16xf32>,
        %parallel_loop3A_610 = arith.constant 4864 : i32
        %parallel_loop3A_611 = arith.addi %parallel_loop3A_610, %parallel_loop3A_203 : i32
        %parallel_loop3A_612 = arith.mulf %parallel_loop3A_531, %parallel_loop3A_160 : vector<16xf32>
        %parallel_loop3A_613 = arith.index_cast %parallel_loop3A_611 : i32 to index
        %parallel_loop3A_614 = tpu.vector_load %arg9[%parallel_loop3A_613] {strides = array<i32>} : memref<16384xf32, #tpu.memory_space<vmem>>, vector<16xf32>,
        tpu.vector_store %arg9[%parallel_loop3A_613], %parallel_loop3A_612 {strides = array<i32>} : memref<16384xf32, #tpu.memory_space<vmem>>, vector<16xf32>,
        %parallel_loop3A_615 = arith.constant 4992 : i32
        %parallel_loop3A_616 = arith.addi %parallel_loop3A_615, %parallel_loop3A_203 : i32
        %parallel_loop3A_617 = arith.mulf %parallel_loop3A_539, %parallel_loop3A_160 : vector<16xf32>
        %parallel_loop3A_618 = arith.index_cast %parallel_loop3A_616 : i32 to index
        %parallel_loop3A_619 = tpu.vector_load %arg9[%parallel_loop3A_618] {strides = array<i32>} : memref<16384xf32, #tpu.memory_space<vmem>>, vector<16xf32>,
        tpu.vector_store %arg9[%parallel_loop3A_618], %parallel_loop3A_617 {strides = array<i32>} : memref<16384xf32, #tpu.memory_space<vmem>>, vector<16xf32>,
        %parallel_loop3A_620 = arith.constant 0 : i32
        %parallel_loop3A_621 = arith.addi %parallel_loop3A_158, %parallel_loop3A_620 : i32
        %parallel_loop3A_622 = arith.index_cast %parallel_loop3A_621 : i32 to index
        %parallel_loop3A_623 = arith.constant 16 : index
        %parallel_loop3A_624 = tpu.vector_load %arg8[%parallel_loop3A_622, %parallel_loop3A_623] {strides = array<i32>} : memref<512x32xf32, #tpu.memory_space<vmem>>, vector<16xf32>,
        %parallel_loop3A_625 = arith.constant 1 : i32
        %parallel_loop3A_626 = arith.addi %parallel_loop3A_158, %parallel_loop3A_625 : i32
        %parallel_loop3A_627 = arith.index_cast %parallel_loop3A_626 : i32 to index
        %parallel_loop3A_628 = arith.constant 16 : index
        %parallel_loop3A_629 = tpu.vector_load %arg8[%parallel_loop3A_627, %parallel_loop3A_628] {strides = array<i32>} : memref<512x32xf32, #tpu.memory_space<vmem>>, vector<16xf32>,
        %parallel_loop3A_630 = arith.constant 2 : i32
        %parallel_loop3A_631 = arith.addi %parallel_loop3A_158, %parallel_loop3A_630 : i32
        %parallel_loop3A_632 = arith.index_cast %parallel_loop3A_631 : i32 to index
        %parallel_loop3A_633 = arith.constant 16 : index
        %parallel_loop3A_634 = tpu.vector_load %arg8[%parallel_loop3A_632, %parallel_loop3A_633] {strides = array<i32>} : memref<512x32xf32, #tpu.memory_space<vmem>>, vector<16xf32>,
        %parallel_loop3A_635 = arith.constant 3 : i32
        %parallel_loop3A_636 = arith.addi %parallel_loop3A_158, %parallel_loop3A_635 : i32
        %parallel_loop3A_637 = arith.index_cast %parallel_loop3A_636 : i32 to index
        %parallel_loop3A_638 = arith.constant 16 : index
        %parallel_loop3A_639 = tpu.vector_load %arg8[%parallel_loop3A_637, %parallel_loop3A_638] {strides = array<i32>} : memref<512x32xf32, #tpu.memory_space<vmem>>, vector<16xf32>,
        %parallel_loop3A_640 = arith.constant 4 : i32
        %parallel_loop3A_641 = arith.addi %parallel_loop3A_158, %parallel_loop3A_640 : i32
        %parallel_loop3A_642 = arith.index_cast %parallel_loop3A_641 : i32 to index
        %parallel_loop3A_643 = arith.constant 16 : index
        %parallel_loop3A_644 = tpu.vector_load %arg8[%parallel_loop3A_642, %parallel_loop3A_643] {strides = array<i32>} : memref<512x32xf32, #tpu.memory_space<vmem>>, vector<16xf32>,
        %parallel_loop3A_645 = arith.constant 5 : i32
        %parallel_loop3A_646 = arith.addi %parallel_loop3A_158, %parallel_loop3A_645 : i32
        %parallel_loop3A_647 = arith.index_cast %parallel_loop3A_646 : i32 to index
        %parallel_loop3A_648 = arith.constant 16 : index
        %parallel_loop3A_649 = tpu.vector_load %arg8[%parallel_loop3A_647, %parallel_loop3A_648] {strides = array<i32>} : memref<512x32xf32, #tpu.memory_space<vmem>>, vector<16xf32>,
        %parallel_loop3A_650 = arith.constant 6 : i32
        %parallel_loop3A_651 = arith.addi %parallel_loop3A_158, %parallel_loop3A_650 : i32
        %parallel_loop3A_652 = arith.index_cast %parallel_loop3A_651 : i32 to index
        %parallel_loop3A_653 = arith.constant 16 : index
        %parallel_loop3A_654 = tpu.vector_load %arg8[%parallel_loop3A_652, %parallel_loop3A_653] {strides = array<i32>} : memref<512x32xf32, #tpu.memory_space<vmem>>, vector<16xf32>,
        %parallel_loop3A_655 = arith.constant 7 : i32
        %parallel_loop3A_656 = arith.addi %parallel_loop3A_158, %parallel_loop3A_655 : i32
        %parallel_loop3A_657 = arith.index_cast %parallel_loop3A_656 : i32 to index
        %parallel_loop3A_658 = arith.constant 16 : index
        %parallel_loop3A_659 = tpu.vector_load %arg8[%parallel_loop3A_657, %parallel_loop3A_658] {strides = array<i32>} : memref<512x32xf32, #tpu.memory_space<vmem>>, vector<16xf32>,
        %parallel_loop3A_660 = arith.constant 8 : i32
        %parallel_loop3A_661 = arith.addi %parallel_loop3A_158, %parallel_loop3A_660 : i32
        %parallel_loop3A_662 = arith.index_cast %parallel_loop3A_661 : i32 to index
        %parallel_loop3A_663 = arith.constant 16 : index
        %parallel_loop3A_664 = tpu.vector_load %arg8[%parallel_loop3A_662, %parallel_loop3A_663] {strides = array<i32>} : memref<512x32xf32, #tpu.memory_space<vmem>>, vector<16xf32>,
        %parallel_loop3A_665 = arith.constant 9 : i32
        %parallel_loop3A_666 = arith.addi %parallel_loop3A_158, %parallel_loop3A_665 : i32
        %parallel_loop3A_667 = arith.index_cast %parallel_loop3A_666 : i32 to index
        %parallel_loop3A_668 = arith.constant 16 : index
        %parallel_loop3A_669 = tpu.vector_load %arg8[%parallel_loop3A_667, %parallel_loop3A_668] {strides = array<i32>} : memref<512x32xf32, #tpu.memory_space<vmem>>, vector<16xf32>,
        %parallel_loop3A_670 = arith.constant 10 : i32
        %parallel_loop3A_671 = arith.addi %parallel_loop3A_158, %parallel_loop3A_670 : i32
        %parallel_loop3A_672 = arith.index_cast %parallel_loop3A_671 : i32 to index
        %parallel_loop3A_673 = arith.constant 16 : index
        %parallel_loop3A_674 = tpu.vector_load %arg8[%parallel_loop3A_672, %parallel_loop3A_673] {strides = array<i32>} : memref<512x32xf32, #tpu.memory_space<vmem>>, vector<16xf32>,
        %parallel_loop3A_675 = arith.constant 11 : i32
        %parallel_loop3A_676 = arith.addi %parallel_loop3A_158, %parallel_loop3A_675 : i32
        %parallel_loop3A_677 = arith.index_cast %parallel_loop3A_676 : i32 to index
        %parallel_loop3A_678 = arith.constant 16 : index
        %parallel_loop3A_679 = tpu.vector_load %arg8[%parallel_loop3A_677, %parallel_loop3A_678] {strides = array<i32>} : memref<512x32xf32, #tpu.memory_space<vmem>>, vector<16xf32>,
        %parallel_loop3A_680 = arith.constant 12 : i32
        %parallel_loop3A_681 = arith.addi %parallel_loop3A_158, %parallel_loop3A_680 : i32
        %parallel_loop3A_682 = arith.index_cast %parallel_loop3A_681 : i32 to index
        %parallel_loop3A_683 = arith.constant 16 : index
        %parallel_loop3A_684 = tpu.vector_load %arg8[%parallel_loop3A_682, %parallel_loop3A_683] {strides = array<i32>} : memref<512x32xf32, #tpu.memory_space<vmem>>, vector<16xf32>,
        %parallel_loop3A_685 = arith.constant 13 : i32
        %parallel_loop3A_686 = arith.addi %parallel_loop3A_158, %parallel_loop3A_685 : i32
        %parallel_loop3A_687 = arith.index_cast %parallel_loop3A_686 : i32 to index
        %parallel_loop3A_688 = arith.constant 16 : index
        %parallel_loop3A_689 = tpu.vector_load %arg8[%parallel_loop3A_687, %parallel_loop3A_688] {strides = array<i32>} : memref<512x32xf32, #tpu.memory_space<vmem>>, vector<16xf32>,
        %parallel_loop3A_690 = arith.constant 14 : i32
        %parallel_loop3A_691 = arith.addi %parallel_loop3A_158, %parallel_loop3A_690 : i32
        %parallel_loop3A_692 = arith.index_cast %parallel_loop3A_691 : i32 to index
        %parallel_loop3A_693 = arith.constant 16 : index
        %parallel_loop3A_694 = tpu.vector_load %arg8[%parallel_loop3A_692, %parallel_loop3A_693] {strides = array<i32>} : memref<512x32xf32, #tpu.memory_space<vmem>>, vector<16xf32>,
        %parallel_loop3A_695 = arith.constant 15 : i32
        %parallel_loop3A_696 = arith.addi %parallel_loop3A_158, %parallel_loop3A_695 : i32
        %parallel_loop3A_697 = arith.index_cast %parallel_loop3A_696 : i32 to index
        %parallel_loop3A_698 = arith.constant 16 : index
        %parallel_loop3A_699 = tpu.vector_load %arg8[%parallel_loop3A_697, %parallel_loop3A_698] {strides = array<i32>} : memref<512x32xf32, #tpu.memory_space<vmem>>, vector<16xf32>,
        %parallel_loop3A_700 = vector.shape_cast %xor3A_20 : vector<16xi32> to vector<16x1xi32>
        %parallel_loop3A_701 = vector.shape_cast %parallel_loop3A_700 : vector<16x1xi32> to vector<16xi32>
        %parallel_loop3A_702 = tpu.dynamic_gather %parallel_loop3A_624[%parallel_loop3A_701] in [0] : vector<16xf32>, vector<16xi32> -> vector<16xf32>
        %parallel_loop3A_703 = vector.shape_cast %xor3A_20 : vector<16xi32> to vector<16x1xi32>
        %parallel_loop3A_704 = vector.shape_cast %parallel_loop3A_703 : vector<16x1xi32> to vector<16xi32>
        %parallel_loop3A_705 = tpu.dynamic_gather %parallel_loop3A_629[%parallel_loop3A_704] in [0] : vector<16xf32>, vector<16xi32> -> vector<16xf32>
        %parallel_loop3A_706 = arith.select %eq3A_34, %parallel_loop3A_624, %parallel_loop3A_705 : vector<16xi1>, vector<16xf32>
        %parallel_loop3A_707 = arith.select %eq3A_34, %parallel_loop3A_702, %parallel_loop3A_629 : vector<16xi1>, vector<16xf32>
        %parallel_loop3A_708 = vector.shape_cast %xor3A_20 : vector<16xi32> to vector<16x1xi32>
        %parallel_loop3A_709 = vector.shape_cast %parallel_loop3A_708 : vector<16x1xi32> to vector<16xi32>
        %parallel_loop3A_710 = tpu.dynamic_gather %parallel_loop3A_634[%parallel_loop3A_709] in [0] : vector<16xf32>, vector<16xi32> -> vector<16xf32>
        %parallel_loop3A_711 = vector.shape_cast %xor3A_20 : vector<16xi32> to vector<16x1xi32>
        %parallel_loop3A_712 = vector.shape_cast %parallel_loop3A_711 : vector<16x1xi32> to vector<16xi32>
        %parallel_loop3A_713 = tpu.dynamic_gather %parallel_loop3A_639[%parallel_loop3A_712] in [0] : vector<16xf32>, vector<16xi32> -> vector<16xf32>
        %parallel_loop3A_714 = arith.select %eq3A_34, %parallel_loop3A_634, %parallel_loop3A_713 : vector<16xi1>, vector<16xf32>
        %parallel_loop3A_715 = arith.select %eq3A_34, %parallel_loop3A_710, %parallel_loop3A_639 : vector<16xi1>, vector<16xf32>
        %parallel_loop3A_716 = vector.shape_cast %xor3A_20 : vector<16xi32> to vector<16x1xi32>
        %parallel_loop3A_717 = vector.shape_cast %parallel_loop3A_716 : vector<16x1xi32> to vector<16xi32>
        %parallel_loop3A_718 = tpu.dynamic_gather %parallel_loop3A_644[%parallel_loop3A_717] in [0] : vector<16xf32>, vector<16xi32> -> vector<16xf32>
        %parallel_loop3A_719 = vector.shape_cast %xor3A_20 : vector<16xi32> to vector<16x1xi32>
        %parallel_loop3A_720 = vector.shape_cast %parallel_loop3A_719 : vector<16x1xi32> to vector<16xi32>
        %parallel_loop3A_721 = tpu.dynamic_gather %parallel_loop3A_649[%parallel_loop3A_720] in [0] : vector<16xf32>, vector<16xi32> -> vector<16xf32>
        %parallel_loop3A_722 = arith.select %eq3A_34, %parallel_loop3A_644, %parallel_loop3A_721 : vector<16xi1>, vector<16xf32>
        %parallel_loop3A_723 = arith.select %eq3A_34, %parallel_loop3A_718, %parallel_loop3A_649 : vector<16xi1>, vector<16xf32>
        %parallel_loop3A_724 = vector.shape_cast %xor3A_20 : vector<16xi32> to vector<16x1xi32>
        %parallel_loop3A_725 = vector.shape_cast %parallel_loop3A_724 : vector<16x1xi32> to vector<16xi32>
        %parallel_loop3A_726 = tpu.dynamic_gather %parallel_loop3A_654[%parallel_loop3A_725] in [0] : vector<16xf32>, vector<16xi32> -> vector<16xf32>
        %parallel_loop3A_727 = vector.shape_cast %xor3A_20 : vector<16xi32> to vector<16x1xi32>
        %parallel_loop3A_728 = vector.shape_cast %parallel_loop3A_727 : vector<16x1xi32> to vector<16xi32>
        %parallel_loop3A_729 = tpu.dynamic_gather %parallel_loop3A_659[%parallel_loop3A_728] in [0] : vector<16xf32>, vector<16xi32> -> vector<16xf32>
        %parallel_loop3A_730 = arith.select %eq3A_34, %parallel_loop3A_654, %parallel_loop3A_729 : vector<16xi1>, vector<16xf32>
        %parallel_loop3A_731 = arith.select %eq3A_34, %parallel_loop3A_726, %parallel_loop3A_659 : vector<16xi1>, vector<16xf32>
        %parallel_loop3A_732 = vector.shape_cast %xor3A_20 : vector<16xi32> to vector<16x1xi32>
        %parallel_loop3A_733 = vector.shape_cast %parallel_loop3A_732 : vector<16x1xi32> to vector<16xi32>
        %parallel_loop3A_734 = tpu.dynamic_gather %parallel_loop3A_664[%parallel_loop3A_733] in [0] : vector<16xf32>, vector<16xi32> -> vector<16xf32>
        %parallel_loop3A_735 = vector.shape_cast %xor3A_20 : vector<16xi32> to vector<16x1xi32>
        %parallel_loop3A_736 = vector.shape_cast %parallel_loop3A_735 : vector<16x1xi32> to vector<16xi32>
        %parallel_loop3A_737 = tpu.dynamic_gather %parallel_loop3A_669[%parallel_loop3A_736] in [0] : vector<16xf32>, vector<16xi32> -> vector<16xf32>
        %parallel_loop3A_738 = arith.select %eq3A_34, %parallel_loop3A_664, %parallel_loop3A_737 : vector<16xi1>, vector<16xf32>
        %parallel_loop3A_739 = arith.select %eq3A_34, %parallel_loop3A_734, %parallel_loop3A_669 : vector<16xi1>, vector<16xf32>
        %parallel_loop3A_740 = vector.shape_cast %xor3A_20 : vector<16xi32> to vector<16x1xi32>
        %parallel_loop3A_741 = vector.shape_cast %parallel_loop3A_740 : vector<16x1xi32> to vector<16xi32>
        %parallel_loop3A_742 = tpu.dynamic_gather %parallel_loop3A_674[%parallel_loop3A_741] in [0] : vector<16xf32>, vector<16xi32> -> vector<16xf32>
        %parallel_loop3A_743 = vector.shape_cast %xor3A_20 : vector<16xi32> to vector<16x1xi32>
        %parallel_loop3A_744 = vector.shape_cast %parallel_loop3A_743 : vector<16x1xi32> to vector<16xi32>
        %parallel_loop3A_745 = tpu.dynamic_gather %parallel_loop3A_679[%parallel_loop3A_744] in [0] : vector<16xf32>, vector<16xi32> -> vector<16xf32>
        %parallel_loop3A_746 = arith.select %eq3A_34, %parallel_loop3A_674, %parallel_loop3A_745 : vector<16xi1>, vector<16xf32>
        %parallel_loop3A_747 = arith.select %eq3A_34, %parallel_loop3A_742, %parallel_loop3A_679 : vector<16xi1>, vector<16xf32>
        %parallel_loop3A_748 = vector.shape_cast %xor3A_20 : vector<16xi32> to vector<16x1xi32>
        %parallel_loop3A_749 = vector.shape_cast %parallel_loop3A_748 : vector<16x1xi32> to vector<16xi32>
        %parallel_loop3A_750 = tpu.dynamic_gather %parallel_loop3A_684[%parallel_loop3A_749] in [0] : vector<16xf32>, vector<16xi32> -> vector<16xf32>
        %parallel_loop3A_751 = vector.shape_cast %xor3A_20 : vector<16xi32> to vector<16x1xi32>
        %parallel_loop3A_752 = vector.shape_cast %parallel_loop3A_751 : vector<16x1xi32> to vector<16xi32>
        %parallel_loop3A_753 = tpu.dynamic_gather %parallel_loop3A_689[%parallel_loop3A_752] in [0] : vector<16xf32>, vector<16xi32> -> vector<16xf32>
        %parallel_loop3A_754 = arith.select %eq3A_34, %parallel_loop3A_684, %parallel_loop3A_753 : vector<16xi1>, vector<16xf32>
        %parallel_loop3A_755 = arith.select %eq3A_34, %parallel_loop3A_750, %parallel_loop3A_689 : vector<16xi1>, vector<16xf32>
        %parallel_loop3A_756 = vector.shape_cast %xor3A_20 : vector<16xi32> to vector<16x1xi32>
        %parallel_loop3A_757 = vector.shape_cast %parallel_loop3A_756 : vector<16x1xi32> to vector<16xi32>
        %parallel_loop3A_758 = tpu.dynamic_gather %parallel_loop3A_694[%parallel_loop3A_757] in [0] : vector<16xf32>, vector<16xi32> -> vector<16xf32>
        %parallel_loop3A_759 = vector.shape_cast %xor3A_20 : vector<16xi32> to vector<16x1xi32>
        %parallel_loop3A_760 = vector.shape_cast %parallel_loop3A_759 : vector<16x1xi32> to vector<16xi32>
        %parallel_loop3A_761 = tpu.dynamic_gather %parallel_loop3A_699[%parallel_loop3A_760] in [0] : vector<16xf32>, vector<16xi32> -> vector<16xf32>
        %parallel_loop3A_762 = arith.select %eq3A_34, %parallel_loop3A_694, %parallel_loop3A_761 : vector<16xi1>, vector<16xf32>
        %parallel_loop3A_763 = arith.select %eq3A_34, %parallel_loop3A_758, %parallel_loop3A_699 : vector<16xi1>, vector<16xf32>
        %parallel_loop3A_764 = vector.shape_cast %xor3A_23 : vector<16xi32> to vector<16x1xi32>
        %parallel_loop3A_765 = vector.shape_cast %parallel_loop3A_764 : vector<16x1xi32> to vector<16xi32>
        %parallel_loop3A_766 = tpu.dynamic_gather %parallel_loop3A_706[%parallel_loop3A_765] in [0] : vector<16xf32>, vector<16xi32> -> vector<16xf32>
        %parallel_loop3A_767 = vector.shape_cast %xor3A_23 : vector<16xi32> to vector<16x1xi32>
        %parallel_loop3A_768 = vector.shape_cast %parallel_loop3A_767 : vector<16x1xi32> to vector<16xi32>
        %parallel_loop3A_769 = tpu.dynamic_gather %parallel_loop3A_714[%parallel_loop3A_768] in [0] : vector<16xf32>, vector<16xi32> -> vector<16xf32>
        %parallel_loop3A_770 = arith.select %eq3A_40, %parallel_loop3A_706, %parallel_loop3A_769 : vector<16xi1>, vector<16xf32>
        %parallel_loop3A_771 = arith.select %eq3A_40, %parallel_loop3A_766, %parallel_loop3A_714 : vector<16xi1>, vector<16xf32>
        %parallel_loop3A_772 = vector.shape_cast %xor3A_23 : vector<16xi32> to vector<16x1xi32>
        %parallel_loop3A_773 = vector.shape_cast %parallel_loop3A_772 : vector<16x1xi32> to vector<16xi32>
        %parallel_loop3A_774 = tpu.dynamic_gather %parallel_loop3A_707[%parallel_loop3A_773] in [0] : vector<16xf32>, vector<16xi32> -> vector<16xf32>
        %parallel_loop3A_775 = vector.shape_cast %xor3A_23 : vector<16xi32> to vector<16x1xi32>
        %parallel_loop3A_776 = vector.shape_cast %parallel_loop3A_775 : vector<16x1xi32> to vector<16xi32>
        %parallel_loop3A_777 = tpu.dynamic_gather %parallel_loop3A_715[%parallel_loop3A_776] in [0] : vector<16xf32>, vector<16xi32> -> vector<16xf32>
        %parallel_loop3A_778 = arith.select %eq3A_40, %parallel_loop3A_707, %parallel_loop3A_777 : vector<16xi1>, vector<16xf32>
        %parallel_loop3A_779 = arith.select %eq3A_40, %parallel_loop3A_774, %parallel_loop3A_715 : vector<16xi1>, vector<16xf32>
        %parallel_loop3A_780 = vector.shape_cast %xor3A_23 : vector<16xi32> to vector<16x1xi32>
        %parallel_loop3A_781 = vector.shape_cast %parallel_loop3A_780 : vector<16x1xi32> to vector<16xi32>
        %parallel_loop3A_782 = tpu.dynamic_gather %parallel_loop3A_722[%parallel_loop3A_781] in [0] : vector<16xf32>, vector<16xi32> -> vector<16xf32>
        %parallel_loop3A_783 = vector.shape_cast %xor3A_23 : vector<16xi32> to vector<16x1xi32>
        %parallel_loop3A_784 = vector.shape_cast %parallel_loop3A_783 : vector<16x1xi32> to vector<16xi32>
        %parallel_loop3A_785 = tpu.dynamic_gather %parallel_loop3A_730[%parallel_loop3A_784] in [0] : vector<16xf32>, vector<16xi32> -> vector<16xf32>
        %parallel_loop3A_786 = arith.select %eq3A_40, %parallel_loop3A_722, %parallel_loop3A_785 : vector<16xi1>, vector<16xf32>
        %parallel_loop3A_787 = arith.select %eq3A_40, %parallel_loop3A_782, %parallel_loop3A_730 : vector<16xi1>, vector<16xf32>
        %parallel_loop3A_788 = vector.shape_cast %xor3A_23 : vector<16xi32> to vector<16x1xi32>
        %parallel_loop3A_789 = vector.shape_cast %parallel_loop3A_788 : vector<16x1xi32> to vector<16xi32>
        %parallel_loop3A_790 = tpu.dynamic_gather %parallel_loop3A_723[%parallel_loop3A_789] in [0] : vector<16xf32>, vector<16xi32> -> vector<16xf32>
        %parallel_loop3A_791 = vector.shape_cast %xor3A_23 : vector<16xi32> to vector<16x1xi32>
        %parallel_loop3A_792 = vector.shape_cast %parallel_loop3A_791 : vector<16x1xi32> to vector<16xi32>
        %parallel_loop3A_793 = tpu.dynamic_gather %parallel_loop3A_731[%parallel_loop3A_792] in [0] : vector<16xf32>, vector<16xi32> -> vector<16xf32>
        %parallel_loop3A_794 = arith.select %eq3A_40, %parallel_loop3A_723, %parallel_loop3A_793 : vector<16xi1>, vector<16xf32>
        %parallel_loop3A_795 = arith.select %eq3A_40, %parallel_loop3A_790, %parallel_loop3A_731 : vector<16xi1>, vector<16xf32>
        %parallel_loop3A_796 = vector.shape_cast %xor3A_23 : vector<16xi32> to vector<16x1xi32>
        %parallel_loop3A_797 = vector.shape_cast %parallel_loop3A_796 : vector<16x1xi32> to vector<16xi32>
        %parallel_loop3A_798 = tpu.dynamic_gather %parallel_loop3A_738[%parallel_loop3A_797] in [0] : vector<16xf32>, vector<16xi32> -> vector<16xf32>
        %parallel_loop3A_799 = vector.shape_cast %xor3A_23 : vector<16xi32> to vector<16x1xi32>
        %parallel_loop3A_800 = vector.shape_cast %parallel_loop3A_799 : vector<16x1xi32> to vector<16xi32>
        %parallel_loop3A_801 = tpu.dynamic_gather %parallel_loop3A_746[%parallel_loop3A_800] in [0] : vector<16xf32>, vector<16xi32> -> vector<16xf32>
        %parallel_loop3A_802 = arith.select %eq3A_40, %parallel_loop3A_738, %parallel_loop3A_801 : vector<16xi1>, vector<16xf32>
        %parallel_loop3A_803 = arith.select %eq3A_40, %parallel_loop3A_798, %parallel_loop3A_746 : vector<16xi1>, vector<16xf32>
        %parallel_loop3A_804 = vector.shape_cast %xor3A_23 : vector<16xi32> to vector<16x1xi32>
        %parallel_loop3A_805 = vector.shape_cast %parallel_loop3A_804 : vector<16x1xi32> to vector<16xi32>
        %parallel_loop3A_806 = tpu.dynamic_gather %parallel_loop3A_739[%parallel_loop3A_805] in [0] : vector<16xf32>, vector<16xi32> -> vector<16xf32>
        %parallel_loop3A_807 = vector.shape_cast %xor3A_23 : vector<16xi32> to vector<16x1xi32>
        %parallel_loop3A_808 = vector.shape_cast %parallel_loop3A_807 : vector<16x1xi32> to vector<16xi32>
        %parallel_loop3A_809 = tpu.dynamic_gather %parallel_loop3A_747[%parallel_loop3A_808] in [0] : vector<16xf32>, vector<16xi32> -> vector<16xf32>
        %parallel_loop3A_810 = arith.select %eq3A_40, %parallel_loop3A_739, %parallel_loop3A_809 : vector<16xi1>, vector<16xf32>
        %parallel_loop3A_811 = arith.select %eq3A_40, %parallel_loop3A_806, %parallel_loop3A_747 : vector<16xi1>, vector<16xf32>
        %parallel_loop3A_812 = vector.shape_cast %xor3A_23 : vector<16xi32> to vector<16x1xi32>
        %parallel_loop3A_813 = vector.shape_cast %parallel_loop3A_812 : vector<16x1xi32> to vector<16xi32>
        %parallel_loop3A_814 = tpu.dynamic_gather %parallel_loop3A_754[%parallel_loop3A_813] in [0] : vector<16xf32>, vector<16xi32> -> vector<16xf32>
        %parallel_loop3A_815 = vector.shape_cast %xor3A_23 : vector<16xi32> to vector<16x1xi32>
        %parallel_loop3A_816 = vector.shape_cast %parallel_loop3A_815 : vector<16x1xi32> to vector<16xi32>
        %parallel_loop3A_817 = tpu.dynamic_gather %parallel_loop3A_762[%parallel_loop3A_816] in [0] : vector<16xf32>, vector<16xi32> -> vector<16xf32>
        %parallel_loop3A_818 = arith.select %eq3A_40, %parallel_loop3A_754, %parallel_loop3A_817 : vector<16xi1>, vector<16xf32>
        %parallel_loop3A_819 = arith.select %eq3A_40, %parallel_loop3A_814, %parallel_loop3A_762 : vector<16xi1>, vector<16xf32>
        %parallel_loop3A_820 = vector.shape_cast %xor3A_23 : vector<16xi32> to vector<16x1xi32>
        %parallel_loop3A_821 = vector.shape_cast %parallel_loop3A_820 : vector<16x1xi32> to vector<16xi32>
        %parallel_loop3A_822 = tpu.dynamic_gather %parallel_loop3A_755[%parallel_loop3A_821] in [0] : vector<16xf32>, vector<16xi32> -> vector<16xf32>
        %parallel_loop3A_823 = vector.shape_cast %xor3A_23 : vector<16xi32> to vector<16x1xi32>
        %parallel_loop3A_824 = vector.shape_cast %parallel_loop3A_823 : vector<16x1xi32> to vector<16xi32>
        %parallel_loop3A_825 = tpu.dynamic_gather %parallel_loop3A_763[%parallel_loop3A_824] in [0] : vector<16xf32>, vector<16xi32> -> vector<16xf32>
        %parallel_loop3A_826 = arith.select %eq3A_40, %parallel_loop3A_755, %parallel_loop3A_825 : vector<16xi1>, vector<16xf32>
        %parallel_loop3A_827 = arith.select %eq3A_40, %parallel_loop3A_822, %parallel_loop3A_763 : vector<16xi1>, vector<16xf32>
        %parallel_loop3A_828 = vector.shape_cast %xor3A_26 : vector<16xi32> to vector<16x1xi32>
        %parallel_loop3A_829 = vector.shape_cast %parallel_loop3A_828 : vector<16x1xi32> to vector<16xi32>
        %parallel_loop3A_830 = tpu.dynamic_gather %parallel_loop3A_770[%parallel_loop3A_829] in [0] : vector<16xf32>, vector<16xi32> -> vector<16xf32>
        %parallel_loop3A_831 = vector.shape_cast %xor3A_26 : vector<16xi32> to vector<16x1xi32>
        %parallel_loop3A_832 = vector.shape_cast %parallel_loop3A_831 : vector<16x1xi32> to vector<16xi32>
        %parallel_loop3A_833 = tpu.dynamic_gather %parallel_loop3A_786[%parallel_loop3A_832] in [0] : vector<16xf32>, vector<16xi32> -> vector<16xf32>
        %parallel_loop3A_834 = arith.select %eq3A_46, %parallel_loop3A_770, %parallel_loop3A_833 : vector<16xi1>, vector<16xf32>
        %parallel_loop3A_835 = arith.select %eq3A_46, %parallel_loop3A_830, %parallel_loop3A_786 : vector<16xi1>, vector<16xf32>
        %parallel_loop3A_836 = vector.shape_cast %xor3A_26 : vector<16xi32> to vector<16x1xi32>
        %parallel_loop3A_837 = vector.shape_cast %parallel_loop3A_836 : vector<16x1xi32> to vector<16xi32>
        %parallel_loop3A_838 = tpu.dynamic_gather %parallel_loop3A_778[%parallel_loop3A_837] in [0] : vector<16xf32>, vector<16xi32> -> vector<16xf32>
        %parallel_loop3A_839 = vector.shape_cast %xor3A_26 : vector<16xi32> to vector<16x1xi32>
        %parallel_loop3A_840 = vector.shape_cast %parallel_loop3A_839 : vector<16x1xi32> to vector<16xi32>
        %parallel_loop3A_841 = tpu.dynamic_gather %parallel_loop3A_794[%parallel_loop3A_840] in [0] : vector<16xf32>, vector<16xi32> -> vector<16xf32>
        %parallel_loop3A_842 = arith.select %eq3A_46, %parallel_loop3A_778, %parallel_loop3A_841 : vector<16xi1>, vector<16xf32>
        %parallel_loop3A_843 = arith.select %eq3A_46, %parallel_loop3A_838, %parallel_loop3A_794 : vector<16xi1>, vector<16xf32>
        %parallel_loop3A_844 = vector.shape_cast %xor3A_26 : vector<16xi32> to vector<16x1xi32>
        %parallel_loop3A_845 = vector.shape_cast %parallel_loop3A_844 : vector<16x1xi32> to vector<16xi32>
        %parallel_loop3A_846 = tpu.dynamic_gather %parallel_loop3A_771[%parallel_loop3A_845] in [0] : vector<16xf32>, vector<16xi32> -> vector<16xf32>
        %parallel_loop3A_847 = vector.shape_cast %xor3A_26 : vector<16xi32> to vector<16x1xi32>
        %parallel_loop3A_848 = vector.shape_cast %parallel_loop3A_847 : vector<16x1xi32> to vector<16xi32>
        %parallel_loop3A_849 = tpu.dynamic_gather %parallel_loop3A_787[%parallel_loop3A_848] in [0] : vector<16xf32>, vector<16xi32> -> vector<16xf32>
        %parallel_loop3A_850 = arith.select %eq3A_46, %parallel_loop3A_771, %parallel_loop3A_849 : vector<16xi1>, vector<16xf32>
        %parallel_loop3A_851 = arith.select %eq3A_46, %parallel_loop3A_846, %parallel_loop3A_787 : vector<16xi1>, vector<16xf32>
        %parallel_loop3A_852 = vector.shape_cast %xor3A_26 : vector<16xi32> to vector<16x1xi32>
        %parallel_loop3A_853 = vector.shape_cast %parallel_loop3A_852 : vector<16x1xi32> to vector<16xi32>
        %parallel_loop3A_854 = tpu.dynamic_gather %parallel_loop3A_779[%parallel_loop3A_853] in [0] : vector<16xf32>, vector<16xi32> -> vector<16xf32>
        %parallel_loop3A_855 = vector.shape_cast %xor3A_26 : vector<16xi32> to vector<16x1xi32>
        %parallel_loop3A_856 = vector.shape_cast %parallel_loop3A_855 : vector<16x1xi32> to vector<16xi32>
        %parallel_loop3A_857 = tpu.dynamic_gather %parallel_loop3A_795[%parallel_loop3A_856] in [0] : vector<16xf32>, vector<16xi32> -> vector<16xf32>
        %parallel_loop3A_858 = arith.select %eq3A_46, %parallel_loop3A_779, %parallel_loop3A_857 : vector<16xi1>, vector<16xf32>
        %parallel_loop3A_859 = arith.select %eq3A_46, %parallel_loop3A_854, %parallel_loop3A_795 : vector<16xi1>, vector<16xf32>
        %parallel_loop3A_860 = vector.shape_cast %xor3A_26 : vector<16xi32> to vector<16x1xi32>
        %parallel_loop3A_861 = vector.shape_cast %parallel_loop3A_860 : vector<16x1xi32> to vector<16xi32>
        %parallel_loop3A_862 = tpu.dynamic_gather %parallel_loop3A_802[%parallel_loop3A_861] in [0] : vector<16xf32>, vector<16xi32> -> vector<16xf32>
        %parallel_loop3A_863 = vector.shape_cast %xor3A_26 : vector<16xi32> to vector<16x1xi32>
        %parallel_loop3A_864 = vector.shape_cast %parallel_loop3A_863 : vector<16x1xi32> to vector<16xi32>
        %parallel_loop3A_865 = tpu.dynamic_gather %parallel_loop3A_818[%parallel_loop3A_864] in [0] : vector<16xf32>, vector<16xi32> -> vector<16xf32>
        %parallel_loop3A_866 = arith.select %eq3A_46, %parallel_loop3A_802, %parallel_loop3A_865 : vector<16xi1>, vector<16xf32>
        %parallel_loop3A_867 = arith.select %eq3A_46, %parallel_loop3A_862, %parallel_loop3A_818 : vector<16xi1>, vector<16xf32>
        %parallel_loop3A_868 = vector.shape_cast %xor3A_26 : vector<16xi32> to vector<16x1xi32>
        %parallel_loop3A_869 = vector.shape_cast %parallel_loop3A_868 : vector<16x1xi32> to vector<16xi32>
        %parallel_loop3A_870 = tpu.dynamic_gather %parallel_loop3A_810[%parallel_loop3A_869] in [0] : vector<16xf32>, vector<16xi32> -> vector<16xf32>
        %parallel_loop3A_871 = vector.shape_cast %xor3A_26 : vector<16xi32> to vector<16x1xi32>
        %parallel_loop3A_872 = vector.shape_cast %parallel_loop3A_871 : vector<16x1xi32> to vector<16xi32>
        %parallel_loop3A_873 = tpu.dynamic_gather %parallel_loop3A_826[%parallel_loop3A_872] in [0] : vector<16xf32>, vector<16xi32> -> vector<16xf32>
        %parallel_loop3A_874 = arith.select %eq3A_46, %parallel_loop3A_810, %parallel_loop3A_873 : vector<16xi1>, vector<16xf32>
        %parallel_loop3A_875 = arith.select %eq3A_46, %parallel_loop3A_870, %parallel_loop3A_826 : vector<16xi1>, vector<16xf32>
        %parallel_loop3A_876 = vector.shape_cast %xor3A_26 : vector<16xi32> to vector<16x1xi32>
        %parallel_loop3A_877 = vector.shape_cast %parallel_loop3A_876 : vector<16x1xi32> to vector<16xi32>
        %parallel_loop3A_878 = tpu.dynamic_gather %parallel_loop3A_803[%parallel_loop3A_877] in [0] : vector<16xf32>, vector<16xi32> -> vector<16xf32>
        %parallel_loop3A_879 = vector.shape_cast %xor3A_26 : vector<16xi32> to vector<16x1xi32>
        %parallel_loop3A_880 = vector.shape_cast %parallel_loop3A_879 : vector<16x1xi32> to vector<16xi32>
        %parallel_loop3A_881 = tpu.dynamic_gather %parallel_loop3A_819[%parallel_loop3A_880] in [0] : vector<16xf32>, vector<16xi32> -> vector<16xf32>
        %parallel_loop3A_882 = arith.select %eq3A_46, %parallel_loop3A_803, %parallel_loop3A_881 : vector<16xi1>, vector<16xf32>
        %parallel_loop3A_883 = arith.select %eq3A_46, %parallel_loop3A_878, %parallel_loop3A_819 : vector<16xi1>, vector<16xf32>
        %parallel_loop3A_884 = vector.shape_cast %xor3A_26 : vector<16xi32> to vector<16x1xi32>
        %parallel_loop3A_885 = vector.shape_cast %parallel_loop3A_884 : vector<16x1xi32> to vector<16xi32>
        %parallel_loop3A_886 = tpu.dynamic_gather %parallel_loop3A_811[%parallel_loop3A_885] in [0] : vector<16xf32>, vector<16xi32> -> vector<16xf32>
        %parallel_loop3A_887 = vector.shape_cast %xor3A_26 : vector<16xi32> to vector<16x1xi32>
        %parallel_loop3A_888 = vector.shape_cast %parallel_loop3A_887 : vector<16x1xi32> to vector<16xi32>
        %parallel_loop3A_889 = tpu.dynamic_gather %parallel_loop3A_827[%parallel_loop3A_888] in [0] : vector<16xf32>, vector<16xi32> -> vector<16xf32>
        %parallel_loop3A_890 = arith.select %eq3A_46, %parallel_loop3A_811, %parallel_loop3A_889 : vector<16xi1>, vector<16xf32>
        %parallel_loop3A_891 = arith.select %eq3A_46, %parallel_loop3A_886, %parallel_loop3A_827 : vector<16xi1>, vector<16xf32>
        %parallel_loop3A_892 = vector.shape_cast %xor3A_29 : vector<16xi32> to vector<16x1xi32>
        %parallel_loop3A_893 = vector.shape_cast %parallel_loop3A_892 : vector<16x1xi32> to vector<16xi32>
        %parallel_loop3A_894 = tpu.dynamic_gather %parallel_loop3A_834[%parallel_loop3A_893] in [0] : vector<16xf32>, vector<16xi32> -> vector<16xf32>
        %parallel_loop3A_895 = vector.shape_cast %xor3A_29 : vector<16xi32> to vector<16x1xi32>
        %parallel_loop3A_896 = vector.shape_cast %parallel_loop3A_895 : vector<16x1xi32> to vector<16xi32>
        %parallel_loop3A_897 = tpu.dynamic_gather %parallel_loop3A_866[%parallel_loop3A_896] in [0] : vector<16xf32>, vector<16xi32> -> vector<16xf32>
        %parallel_loop3A_898 = arith.select %eq3A_52, %parallel_loop3A_834, %parallel_loop3A_897 : vector<16xi1>, vector<16xf32>
        %parallel_loop3A_899 = arith.select %eq3A_52, %parallel_loop3A_894, %parallel_loop3A_866 : vector<16xi1>, vector<16xf32>
        %parallel_loop3A_900 = vector.shape_cast %xor3A_29 : vector<16xi32> to vector<16x1xi32>
        %parallel_loop3A_901 = vector.shape_cast %parallel_loop3A_900 : vector<16x1xi32> to vector<16xi32>
        %parallel_loop3A_902 = tpu.dynamic_gather %parallel_loop3A_842[%parallel_loop3A_901] in [0] : vector<16xf32>, vector<16xi32> -> vector<16xf32>
        %parallel_loop3A_903 = vector.shape_cast %xor3A_29 : vector<16xi32> to vector<16x1xi32>
        %parallel_loop3A_904 = vector.shape_cast %parallel_loop3A_903 : vector<16x1xi32> to vector<16xi32>
        %parallel_loop3A_905 = tpu.dynamic_gather %parallel_loop3A_874[%parallel_loop3A_904] in [0] : vector<16xf32>, vector<16xi32> -> vector<16xf32>
        %parallel_loop3A_906 = arith.select %eq3A_52, %parallel_loop3A_842, %parallel_loop3A_905 : vector<16xi1>, vector<16xf32>
        %parallel_loop3A_907 = arith.select %eq3A_52, %parallel_loop3A_902, %parallel_loop3A_874 : vector<16xi1>, vector<16xf32>
        %parallel_loop3A_908 = vector.shape_cast %xor3A_29 : vector<16xi32> to vector<16x1xi32>
        %parallel_loop3A_909 = vector.shape_cast %parallel_loop3A_908 : vector<16x1xi32> to vector<16xi32>
        %parallel_loop3A_910 = tpu.dynamic_gather %parallel_loop3A_850[%parallel_loop3A_909] in [0] : vector<16xf32>, vector<16xi32> -> vector<16xf32>
        %parallel_loop3A_911 = vector.shape_cast %xor3A_29 : vector<16xi32> to vector<16x1xi32>
        %parallel_loop3A_912 = vector.shape_cast %parallel_loop3A_911 : vector<16x1xi32> to vector<16xi32>
        %parallel_loop3A_913 = tpu.dynamic_gather %parallel_loop3A_882[%parallel_loop3A_912] in [0] : vector<16xf32>, vector<16xi32> -> vector<16xf32>
        %parallel_loop3A_914 = arith.select %eq3A_52, %parallel_loop3A_850, %parallel_loop3A_913 : vector<16xi1>, vector<16xf32>
        %parallel_loop3A_915 = arith.select %eq3A_52, %parallel_loop3A_910, %parallel_loop3A_882 : vector<16xi1>, vector<16xf32>
        %parallel_loop3A_916 = vector.shape_cast %xor3A_29 : vector<16xi32> to vector<16x1xi32>
        %parallel_loop3A_917 = vector.shape_cast %parallel_loop3A_916 : vector<16x1xi32> to vector<16xi32>
        %parallel_loop3A_918 = tpu.dynamic_gather %parallel_loop3A_858[%parallel_loop3A_917] in [0] : vector<16xf32>, vector<16xi32> -> vector<16xf32>
        %parallel_loop3A_919 = vector.shape_cast %xor3A_29 : vector<16xi32> to vector<16x1xi32>
        %parallel_loop3A_920 = vector.shape_cast %parallel_loop3A_919 : vector<16x1xi32> to vector<16xi32>
        %parallel_loop3A_921 = tpu.dynamic_gather %parallel_loop3A_890[%parallel_loop3A_920] in [0] : vector<16xf32>, vector<16xi32> -> vector<16xf32>
        %parallel_loop3A_922 = arith.select %eq3A_52, %parallel_loop3A_858, %parallel_loop3A_921 : vector<16xi1>, vector<16xf32>
        %parallel_loop3A_923 = arith.select %eq3A_52, %parallel_loop3A_918, %parallel_loop3A_890 : vector<16xi1>, vector<16xf32>
        %parallel_loop3A_924 = vector.shape_cast %xor3A_29 : vector<16xi32> to vector<16x1xi32>
        %parallel_loop3A_925 = vector.shape_cast %parallel_loop3A_924 : vector<16x1xi32> to vector<16xi32>
        %parallel_loop3A_926 = tpu.dynamic_gather %parallel_loop3A_835[%parallel_loop3A_925] in [0] : vector<16xf32>, vector<16xi32> -> vector<16xf32>
        %parallel_loop3A_927 = vector.shape_cast %xor3A_29 : vector<16xi32> to vector<16x1xi32>
        %parallel_loop3A_928 = vector.shape_cast %parallel_loop3A_927 : vector<16x1xi32> to vector<16xi32>
        %parallel_loop3A_929 = tpu.dynamic_gather %parallel_loop3A_867[%parallel_loop3A_928] in [0] : vector<16xf32>, vector<16xi32> -> vector<16xf32>
        %parallel_loop3A_930 = arith.select %eq3A_52, %parallel_loop3A_835, %parallel_loop3A_929 : vector<16xi1>, vector<16xf32>
        %parallel_loop3A_931 = arith.select %eq3A_52, %parallel_loop3A_926, %parallel_loop3A_867 : vector<16xi1>, vector<16xf32>
        %parallel_loop3A_932 = vector.shape_cast %xor3A_29 : vector<16xi32> to vector<16x1xi32>
        %parallel_loop3A_933 = vector.shape_cast %parallel_loop3A_932 : vector<16x1xi32> to vector<16xi32>
        %parallel_loop3A_934 = tpu.dynamic_gather %parallel_loop3A_843[%parallel_loop3A_933] in [0] : vector<16xf32>, vector<16xi32> -> vector<16xf32>
        %parallel_loop3A_935 = vector.shape_cast %xor3A_29 : vector<16xi32> to vector<16x1xi32>
        %parallel_loop3A_936 = vector.shape_cast %parallel_loop3A_935 : vector<16x1xi32> to vector<16xi32>
        %parallel_loop3A_937 = tpu.dynamic_gather %parallel_loop3A_875[%parallel_loop3A_936] in [0] : vector<16xf32>, vector<16xi32> -> vector<16xf32>
        %parallel_loop3A_938 = arith.select %eq3A_52, %parallel_loop3A_843, %parallel_loop3A_937 : vector<16xi1>, vector<16xf32>
        %parallel_loop3A_939 = arith.select %eq3A_52, %parallel_loop3A_934, %parallel_loop3A_875 : vector<16xi1>, vector<16xf32>
        %parallel_loop3A_940 = vector.shape_cast %xor3A_29 : vector<16xi32> to vector<16x1xi32>
        %parallel_loop3A_941 = vector.shape_cast %parallel_loop3A_940 : vector<16x1xi32> to vector<16xi32>
        %parallel_loop3A_942 = tpu.dynamic_gather %parallel_loop3A_851[%parallel_loop3A_941] in [0] : vector<16xf32>, vector<16xi32> -> vector<16xf32>
        %parallel_loop3A_943 = vector.shape_cast %xor3A_29 : vector<16xi32> to vector<16x1xi32>
        %parallel_loop3A_944 = vector.shape_cast %parallel_loop3A_943 : vector<16x1xi32> to vector<16xi32>
        %parallel_loop3A_945 = tpu.dynamic_gather %parallel_loop3A_883[%parallel_loop3A_944] in [0] : vector<16xf32>, vector<16xi32> -> vector<16xf32>
        %parallel_loop3A_946 = arith.select %eq3A_52, %parallel_loop3A_851, %parallel_loop3A_945 : vector<16xi1>, vector<16xf32>
        %parallel_loop3A_947 = arith.select %eq3A_52, %parallel_loop3A_942, %parallel_loop3A_883 : vector<16xi1>, vector<16xf32>
        %parallel_loop3A_948 = vector.shape_cast %xor3A_29 : vector<16xi32> to vector<16x1xi32>
        %parallel_loop3A_949 = vector.shape_cast %parallel_loop3A_948 : vector<16x1xi32> to vector<16xi32>
        %parallel_loop3A_950 = tpu.dynamic_gather %parallel_loop3A_859[%parallel_loop3A_949] in [0] : vector<16xf32>, vector<16xi32> -> vector<16xf32>
        %parallel_loop3A_951 = vector.shape_cast %xor3A_29 : vector<16xi32> to vector<16x1xi32>
        %parallel_loop3A_952 = vector.shape_cast %parallel_loop3A_951 : vector<16x1xi32> to vector<16xi32>
        %parallel_loop3A_953 = tpu.dynamic_gather %parallel_loop3A_891[%parallel_loop3A_952] in [0] : vector<16xf32>, vector<16xi32> -> vector<16xf32>
        %parallel_loop3A_954 = arith.select %eq3A_52, %parallel_loop3A_859, %parallel_loop3A_953 : vector<16xi1>, vector<16xf32>
        %parallel_loop3A_955 = arith.select %eq3A_52, %parallel_loop3A_950, %parallel_loop3A_891 : vector<16xi1>, vector<16xf32>
        %parallel_loop3A_956 = arith.constant 8192 : i32
        %parallel_loop3A_957 = arith.addi %parallel_loop3A_956, %parallel_loop3A_203 : i32
        %parallel_loop3A_958 = arith.mulf %parallel_loop3A_898, %parallel_loop3A_160 : vector<16xf32>
        %parallel_loop3A_959 = arith.index_cast %parallel_loop3A_957 : i32 to index
        %parallel_loop3A_960 = tpu.vector_load %arg9[%parallel_loop3A_959] {strides = array<i32>} : memref<16384xf32, #tpu.memory_space<vmem>>, vector<16xf32>,
        tpu.vector_store %arg9[%parallel_loop3A_959], %parallel_loop3A_958 {strides = array<i32>} : memref<16384xf32, #tpu.memory_space<vmem>>, vector<16xf32>,
        %parallel_loop3A_961 = arith.constant 8320 : i32
        %parallel_loop3A_962 = arith.addi %parallel_loop3A_961, %parallel_loop3A_203 : i32
        %parallel_loop3A_963 = arith.mulf %parallel_loop3A_906, %parallel_loop3A_160 : vector<16xf32>
        %parallel_loop3A_964 = arith.index_cast %parallel_loop3A_962 : i32 to index
        %parallel_loop3A_965 = tpu.vector_load %arg9[%parallel_loop3A_964] {strides = array<i32>} : memref<16384xf32, #tpu.memory_space<vmem>>, vector<16xf32>,
        tpu.vector_store %arg9[%parallel_loop3A_964], %parallel_loop3A_963 {strides = array<i32>} : memref<16384xf32, #tpu.memory_space<vmem>>, vector<16xf32>,
        %parallel_loop3A_966 = arith.constant 8448 : i32
        %parallel_loop3A_967 = arith.addi %parallel_loop3A_966, %parallel_loop3A_203 : i32
        %parallel_loop3A_968 = arith.mulf %parallel_loop3A_914, %parallel_loop3A_160 : vector<16xf32>
        %parallel_loop3A_969 = arith.index_cast %parallel_loop3A_967 : i32 to index
        %parallel_loop3A_970 = tpu.vector_load %arg9[%parallel_loop3A_969] {strides = array<i32>} : memref<16384xf32, #tpu.memory_space<vmem>>, vector<16xf32>,
        tpu.vector_store %arg9[%parallel_loop3A_969], %parallel_loop3A_968 {strides = array<i32>} : memref<16384xf32, #tpu.memory_space<vmem>>, vector<16xf32>,
        %parallel_loop3A_971 = arith.constant 8576 : i32
        %parallel_loop3A_972 = arith.addi %parallel_loop3A_971, %parallel_loop3A_203 : i32
        %parallel_loop3A_973 = arith.mulf %parallel_loop3A_922, %parallel_loop3A_160 : vector<16xf32>
        %parallel_loop3A_974 = arith.index_cast %parallel_loop3A_972 : i32 to index
        %parallel_loop3A_975 = tpu.vector_load %arg9[%parallel_loop3A_974] {strides = array<i32>} : memref<16384xf32, #tpu.memory_space<vmem>>, vector<16xf32>,
        tpu.vector_store %arg9[%parallel_loop3A_974], %parallel_loop3A_973 {strides = array<i32>} : memref<16384xf32, #tpu.memory_space<vmem>>, vector<16xf32>,
        %parallel_loop3A_976 = arith.constant 8704 : i32
        %parallel_loop3A_977 = arith.addi %parallel_loop3A_976, %parallel_loop3A_203 : i32
        %parallel_loop3A_978 = arith.mulf %parallel_loop3A_930, %parallel_loop3A_160 : vector<16xf32>
        %parallel_loop3A_979 = arith.index_cast %parallel_loop3A_977 : i32 to index
        %parallel_loop3A_980 = tpu.vector_load %arg9[%parallel_loop3A_979] {strides = array<i32>} : memref<16384xf32, #tpu.memory_space<vmem>>, vector<16xf32>,
        tpu.vector_store %arg9[%parallel_loop3A_979], %parallel_loop3A_978 {strides = array<i32>} : memref<16384xf32, #tpu.memory_space<vmem>>, vector<16xf32>,
        %parallel_loop3A_981 = arith.constant 8832 : i32
        %parallel_loop3A_982 = arith.addi %parallel_loop3A_981, %parallel_loop3A_203 : i32
        %parallel_loop3A_983 = arith.mulf %parallel_loop3A_938, %parallel_loop3A_160 : vector<16xf32>
        %parallel_loop3A_984 = arith.index_cast %parallel_loop3A_982 : i32 to index
        %parallel_loop3A_985 = tpu.vector_load %arg9[%parallel_loop3A_984] {strides = array<i32>} : memref<16384xf32, #tpu.memory_space<vmem>>, vector<16xf32>,
        tpu.vector_store %arg9[%parallel_loop3A_984], %parallel_loop3A_983 {strides = array<i32>} : memref<16384xf32, #tpu.memory_space<vmem>>, vector<16xf32>,
        %parallel_loop3A_986 = arith.constant 8960 : i32
        %parallel_loop3A_987 = arith.addi %parallel_loop3A_986, %parallel_loop3A_203 : i32
        %parallel_loop3A_988 = arith.mulf %parallel_loop3A_946, %parallel_loop3A_160 : vector<16xf32>
        %parallel_loop3A_989 = arith.index_cast %parallel_loop3A_987 : i32 to index
        %parallel_loop3A_990 = tpu.vector_load %arg9[%parallel_loop3A_989] {strides = array<i32>} : memref<16384xf32, #tpu.memory_space<vmem>>, vector<16xf32>,
        tpu.vector_store %arg9[%parallel_loop3A_989], %parallel_loop3A_988 {strides = array<i32>} : memref<16384xf32, #tpu.memory_space<vmem>>, vector<16xf32>,
        %parallel_loop3A_991 = arith.constant 9088 : i32
        %parallel_loop3A_992 = arith.addi %parallel_loop3A_991, %parallel_loop3A_203 : i32
        %parallel_loop3A_993 = arith.mulf %parallel_loop3A_954, %parallel_loop3A_160 : vector<16xf32>
        %parallel_loop3A_994 = arith.index_cast %parallel_loop3A_992 : i32 to index
        %parallel_loop3A_995 = tpu.vector_load %arg9[%parallel_loop3A_994] {strides = array<i32>} : memref<16384xf32, #tpu.memory_space<vmem>>, vector<16xf32>,
        tpu.vector_store %arg9[%parallel_loop3A_994], %parallel_loop3A_993 {strides = array<i32>} : memref<16384xf32, #tpu.memory_space<vmem>>, vector<16xf32>,
        %parallel_loop3A_996 = arith.constant 12288 : i32
        %parallel_loop3A_997 = arith.addi %parallel_loop3A_996, %parallel_loop3A_203 : i32
        %parallel_loop3A_998 = arith.mulf %parallel_loop3A_899, %parallel_loop3A_160 : vector<16xf32>
        %parallel_loop3A_999 = arith.index_cast %parallel_loop3A_997 : i32 to index
        %parallel_loop3A_1000 = tpu.vector_load %arg9[%parallel_loop3A_999] {strides = array<i32>} : memref<16384xf32, #tpu.memory_space<vmem>>, vector<16xf32>,
        tpu.vector_store %arg9[%parallel_loop3A_999], %parallel_loop3A_998 {strides = array<i32>} : memref<16384xf32, #tpu.memory_space<vmem>>, vector<16xf32>,
        %parallel_loop3A_1001 = arith.constant 12416 : i32
        %parallel_loop3A_1002 = arith.addi %parallel_loop3A_1001, %parallel_loop3A_203 : i32
        %parallel_loop3A_1003 = arith.mulf %parallel_loop3A_907, %parallel_loop3A_160 : vector<16xf32>
        %parallel_loop3A_1004 = arith.index_cast %parallel_loop3A_1002 : i32 to index
        %parallel_loop3A_1005 = tpu.vector_load %arg9[%parallel_loop3A_1004] {strides = array<i32>} : memref<16384xf32, #tpu.memory_space<vmem>>, vector<16xf32>,
        tpu.vector_store %arg9[%parallel_loop3A_1004], %parallel_loop3A_1003 {strides = array<i32>} : memref<16384xf32, #tpu.memory_space<vmem>>, vector<16xf32>,
        %parallel_loop3A_1006 = arith.constant 12544 : i32
        %parallel_loop3A_1007 = arith.addi %parallel_loop3A_1006, %parallel_loop3A_203 : i32
        %parallel_loop3A_1008 = arith.mulf %parallel_loop3A_915, %parallel_loop3A_160 : vector<16xf32>
        %parallel_loop3A_1009 = arith.index_cast %parallel_loop3A_1007 : i32 to index
        %parallel_loop3A_1010 = tpu.vector_load %arg9[%parallel_loop3A_1009] {strides = array<i32>} : memref<16384xf32, #tpu.memory_space<vmem>>, vector<16xf32>,
        tpu.vector_store %arg9[%parallel_loop3A_1009], %parallel_loop3A_1008 {strides = array<i32>} : memref<16384xf32, #tpu.memory_space<vmem>>, vector<16xf32>,
        %parallel_loop3A_1011 = arith.constant 12672 : i32
        %parallel_loop3A_1012 = arith.addi %parallel_loop3A_1011, %parallel_loop3A_203 : i32
        %parallel_loop3A_1013 = arith.mulf %parallel_loop3A_923, %parallel_loop3A_160 : vector<16xf32>
        %parallel_loop3A_1014 = arith.index_cast %parallel_loop3A_1012 : i32 to index
        %parallel_loop3A_1015 = tpu.vector_load %arg9[%parallel_loop3A_1014] {strides = array<i32>} : memref<16384xf32, #tpu.memory_space<vmem>>, vector<16xf32>,
        tpu.vector_store %arg9[%parallel_loop3A_1014], %parallel_loop3A_1013 {strides = array<i32>} : memref<16384xf32, #tpu.memory_space<vmem>>, vector<16xf32>,
        %parallel_loop3A_1016 = arith.constant 12800 : i32
        %parallel_loop3A_1017 = arith.addi %parallel_loop3A_1016, %parallel_loop3A_203 : i32
        %parallel_loop3A_1018 = arith.mulf %parallel_loop3A_931, %parallel_loop3A_160 : vector<16xf32>
        %parallel_loop3A_1019 = arith.index_cast %parallel_loop3A_1017 : i32 to index
        %parallel_loop3A_1020 = tpu.vector_load %arg9[%parallel_loop3A_1019] {strides = array<i32>} : memref<16384xf32, #tpu.memory_space<vmem>>, vector<16xf32>,
        tpu.vector_store %arg9[%parallel_loop3A_1019], %parallel_loop3A_1018 {strides = array<i32>} : memref<16384xf32, #tpu.memory_space<vmem>>, vector<16xf32>,
        %parallel_loop3A_1021 = arith.constant 12928 : i32
        %parallel_loop3A_1022 = arith.addi %parallel_loop3A_1021, %parallel_loop3A_203 : i32
        %parallel_loop3A_1023 = arith.mulf %parallel_loop3A_939, %parallel_loop3A_160 : vector<16xf32>
        %parallel_loop3A_1024 = arith.index_cast %parallel_loop3A_1022 : i32 to index
        %parallel_loop3A_1025 = tpu.vector_load %arg9[%parallel_loop3A_1024] {strides = array<i32>} : memref<16384xf32, #tpu.memory_space<vmem>>, vector<16xf32>,
        tpu.vector_store %arg9[%parallel_loop3A_1024], %parallel_loop3A_1023 {strides = array<i32>} : memref<16384xf32, #tpu.memory_space<vmem>>, vector<16xf32>,
        %parallel_loop3A_1026 = arith.constant 13056 : i32
        %parallel_loop3A_1027 = arith.addi %parallel_loop3A_1026, %parallel_loop3A_203 : i32
        %parallel_loop3A_1028 = arith.mulf %parallel_loop3A_947, %parallel_loop3A_160 : vector<16xf32>
        %parallel_loop3A_1029 = arith.index_cast %parallel_loop3A_1027 : i32 to index
        %parallel_loop3A_1030 = tpu.vector_load %arg9[%parallel_loop3A_1029] {strides = array<i32>} : memref<16384xf32, #tpu.memory_space<vmem>>, vector<16xf32>,
        tpu.vector_store %arg9[%parallel_loop3A_1029], %parallel_loop3A_1028 {strides = array<i32>} : memref<16384xf32, #tpu.memory_space<vmem>>, vector<16xf32>,
        %parallel_loop3A_1031 = arith.constant 13184 : i32
        %parallel_loop3A_1032 = arith.addi %parallel_loop3A_1031, %parallel_loop3A_203 : i32
        %parallel_loop3A_1033 = arith.mulf %parallel_loop3A_955, %parallel_loop3A_160 : vector<16xf32>
        %parallel_loop3A_1034 = arith.index_cast %parallel_loop3A_1032 : i32 to index
        %parallel_loop3A_1035 = tpu.vector_load %arg9[%parallel_loop3A_1034] {strides = array<i32>} : memref<16384xf32, #tpu.memory_space<vmem>>, vector<16xf32>,
        tpu.vector_store %arg9[%parallel_loop3A_1034], %parallel_loop3A_1033 {strides = array<i32>} : memref<16384xf32, #tpu.memory_space<vmem>>, vector<16xf32>,
      } {sc.loop_unroll_factor = 1 : i64, sc.parallel_access}
      %mul3A_119 = arith.constant 524288 : i32
      %mul3A_120 = arith.muli %scan3A_93, %mul3A_119 : i32
      %mul3A_121 = arith.constant 1024 : i32
      %mul3A_122 = arith.muli %select_n3A, %mul3A_121 : i32
      %add3A_123 = arith.addi %mul3A_120, %mul3A_122 : i32
      %add3A_124 = arith.constant 0 : i32
      %add3A_125 = arith.addi %add3A_123, %add3A_124 : i32
      %add3A_126 = arith.constant 131072 : i32
      %add3A_127 = arith.addi %add3A_123, %add3A_126 : i32
      %add3A_128 = arith.constant 262144 : i32
      %add3A_129 = arith.addi %add3A_123, %add3A_128 : i32
      %add3A_130 = arith.constant 393216 : i32
      %add3A_131 = arith.addi %add3A_123, %add3A_130 : i32
      %dma_start3A_132 = arith.constant 0 : i32
      %dma_start3A_133 = tpu.memref_slice %arg9[%dma_start3A_132] : memref<16384xf32, #tpu.memory_space<vmem>> -> memref<4096xf32, #tpu.memory_space<vmem>>
      %dma_start3A_134 = tpu.memref_slice %arg5[%add3A_125] : memref<26214400xf32, #tpu.memory_space<hbm>> -> memref<4096xf32, #tpu.memory_space<hbm>>
      %dma_start3A_135 = tpu.memref_slice %arg5[%add3A_125] : memref<26214400xf32, #tpu.memory_space<hbm>> -> memref<4096xf32, #tpu.memory_space<hbm>>
      %dma_start3A_136 = arith.constant 0 : i32
      %dma_start3A_137 = tpu.memref_slice %arg9[%dma_start3A_136] : memref<16384xf32, #tpu.memory_space<vmem>> -> memref<4096xf32, #tpu.memory_space<vmem>>
      tpu.enqueue_dma source(%dma_start3A_137 : memref<4096xf32, #tpu.memory_space<vmem>>) target(%dma_start3A_135 : memref<4096xf32, #tpu.memory_space<hbm>>) target_semaphore(%arg12 : memref<!tpu.dma_semaphore, #tpu.memory_space<semaphore_mem>>)
      %dma_start3A_138 = arith.constant 4096 : i32
      %dma_start3A_139 = tpu.memref_slice %arg9[%dma_start3A_138] : memref<16384xf32, #tpu.memory_space<vmem>> -> memref<4096xf32, #tpu.memory_space<vmem>>
      %dma_start3A_140 = tpu.memref_slice %arg5[%add3A_127] : memref<26214400xf32, #tpu.memory_space<hbm>> -> memref<4096xf32, #tpu.memory_space<hbm>>
      %dma_start3A_141 = tpu.memref_slice %arg5[%add3A_127] : memref<26214400xf32, #tpu.memory_space<hbm>> -> memref<4096xf32, #tpu.memory_space<hbm>>
      %dma_start3A_142 = arith.constant 4096 : i32
      %dma_start3A_143 = tpu.memref_slice %arg9[%dma_start3A_142] : memref<16384xf32, #tpu.memory_space<vmem>> -> memref<4096xf32, #tpu.memory_space<vmem>>
      tpu.enqueue_dma source(%dma_start3A_143 : memref<4096xf32, #tpu.memory_space<vmem>>) target(%dma_start3A_141 : memref<4096xf32, #tpu.memory_space<hbm>>) target_semaphore(%arg12 : memref<!tpu.dma_semaphore, #tpu.memory_space<semaphore_mem>>)
      %dma_start3A_144 = arith.constant 8192 : i32
      %dma_start3A_145 = tpu.memref_slice %arg9[%dma_start3A_144] : memref<16384xf32, #tpu.memory_space<vmem>> -> memref<4096xf32, #tpu.memory_space<vmem>>
      %dma_start3A_146 = tpu.memref_slice %arg5[%add3A_129] : memref<26214400xf32, #tpu.memory_space<hbm>> -> memref<4096xf32, #tpu.memory_space<hbm>>
      %dma_start3A_147 = tpu.memref_slice %arg5[%add3A_129] : memref<26214400xf32, #tpu.memory_space<hbm>> -> memref<4096xf32, #tpu.memory_space<hbm>>
      %dma_start3A_148 = arith.constant 8192 : i32
      %dma_start3A_149 = tpu.memref_slice %arg9[%dma_start3A_148] : memref<16384xf32, #tpu.memory_space<vmem>> -> memref<4096xf32, #tpu.memory_space<vmem>>
      tpu.enqueue_dma source(%dma_start3A_149 : memref<4096xf32, #tpu.memory_space<vmem>>) target(%dma_start3A_147 : memref<4096xf32, #tpu.memory_space<hbm>>) target_semaphore(%arg12 : memref<!tpu.dma_semaphore, #tpu.memory_space<semaphore_mem>>)
      %dma_start3A_150 = arith.constant 12288 : i32
      %dma_start3A_151 = tpu.memref_slice %arg9[%dma_start3A_150] : memref<16384xf32, #tpu.memory_space<vmem>> -> memref<4096xf32, #tpu.memory_space<vmem>>
      %dma_start3A_152 = tpu.memref_slice %arg5[%add3A_131] : memref<26214400xf32, #tpu.memory_space<hbm>> -> memref<4096xf32, #tpu.memory_space<hbm>>
      %dma_start3A_153 = tpu.memref_slice %arg5[%add3A_131] : memref<26214400xf32, #tpu.memory_space<hbm>> -> memref<4096xf32, #tpu.memory_space<hbm>>
      %dma_start3A_154 = arith.constant 12288 : i32
      %dma_start3A_155 = tpu.memref_slice %arg9[%dma_start3A_154] : memref<16384xf32, #tpu.memory_space<vmem>> -> memref<4096xf32, #tpu.memory_space<vmem>>
      tpu.enqueue_dma source(%dma_start3A_155 : memref<4096xf32, #tpu.memory_space<vmem>>) target(%dma_start3A_153 : memref<4096xf32, #tpu.memory_space<hbm>>) target_semaphore(%arg12 : memref<!tpu.dma_semaphore, #tpu.memory_space<semaphore_mem>>)
    }
    %scan3A_57 = arith.constant 50 : i32
    %mul3A_58 = arith.constant 1024 : i32
    %mul3A_59 = arith.muli %select_n3A, %mul3A_58 : i32
    %add3A_60 = arith.constant 25690112 : i32
    %add3A_61 = arith.addi %add3A_60, %mul3A_59 : i32
    %add3A_62 = arith.constant 0 : i32
    %add3A_63 = arith.addi %add3A_61, %add3A_62 : i32
    %add3A_64 = arith.constant 131072 : i32
    %add3A_65 = arith.addi %add3A_61, %add3A_64 : i32
    %add3A_66 = arith.constant 262144 : i32
    %add3A_67 = arith.addi %add3A_61, %add3A_66 : i32
    %add3A_68 = arith.constant 393216 : i32
    %add3A_69 = arith.addi %add3A_61, %add3A_68 : i32
    %dma_wait3A = arith.constant 0 : i32
    %dma_wait3A_70 = tpu.memref_slice %arg9[%dma_wait3A] : memref<16384xf32, #tpu.memory_space<vmem>> -> memref<4096xf32, #tpu.memory_space<vmem>>
    %dma_wait3A_71 = tpu.memref_slice %arg5[%add3A_63] : memref<26214400xf32, #tpu.memory_space<hbm>> -> memref<4096xf32, #tpu.memory_space<hbm>>
    %dma_wait3A_72 = tpu.memref_slice %arg5[%add3A_63] : memref<26214400xf32, #tpu.memory_space<hbm>> -> memref<4096xf32, #tpu.memory_space<hbm>>
    %dma_wait3A_73 = arith.constant 0 : i32
    %dma_wait3A_74 = tpu.memref_slice %arg9[%dma_wait3A_73] : memref<16384xf32, #tpu.memory_space<vmem>> -> memref<4096xf32, #tpu.memory_space<vmem>>
    tpu.wait_dma2 semaphore(%arg12 : memref<!tpu.dma_semaphore, #tpu.memory_space<semaphore_mem>>) src(%dma_wait3A_74 : memref<4096xf32, #tpu.memory_space<vmem>>) dst(%dma_wait3A_72 : memref<4096xf32, #tpu.memory_space<hbm>>)
    %dma_wait3A_75 = arith.constant 4096 : i32
    %dma_wait3A_76 = tpu.memref_slice %arg9[%dma_wait3A_75] : memref<16384xf32, #tpu.memory_space<vmem>> -> memref<4096xf32, #tpu.memory_space<vmem>>
    %dma_wait3A_77 = tpu.memref_slice %arg5[%add3A_65] : memref<26214400xf32, #tpu.memory_space<hbm>> -> memref<4096xf32, #tpu.memory_space<hbm>>
    %dma_wait3A_78 = tpu.memref_slice %arg5[%add3A_65] : memref<26214400xf32, #tpu.memory_space<hbm>> -> memref<4096xf32, #tpu.memory_space<hbm>>
    %dma_wait3A_79 = arith.constant 4096 : i32
    %dma_wait3A_80 = tpu.memref_slice %arg9[%dma_wait3A_79] : memref<16384xf32, #tpu.memory_space<vmem>> -> memref<4096xf32, #tpu.memory_space<vmem>>
    tpu.wait_dma2 semaphore(%arg12 : memref<!tpu.dma_semaphore, #tpu.memory_space<semaphore_mem>>) src(%dma_wait3A_80 : memref<4096xf32, #tpu.memory_space<vmem>>) dst(%dma_wait3A_78 : memref<4096xf32, #tpu.memory_space<hbm>>)
    %dma_wait3A_81 = arith.constant 8192 : i32
    %dma_wait3A_82 = tpu.memref_slice %arg9[%dma_wait3A_81] : memref<16384xf32, #tpu.memory_space<vmem>> -> memref<4096xf32, #tpu.memory_space<vmem>>
    %dma_wait3A_83 = tpu.memref_slice %arg5[%add3A_67] : memref<26214400xf32, #tpu.memory_space<hbm>> -> memref<4096xf32, #tpu.memory_space<hbm>>
    %dma_wait3A_84 = tpu.memref_slice %arg5[%add3A_67] : memref<26214400xf32, #tpu.memory_space<hbm>> -> memref<4096xf32, #tpu.memory_space<hbm>>
    %dma_wait3A_85 = arith.constant 8192 : i32
    %dma_wait3A_86 = tpu.memref_slice %arg9[%dma_wait3A_85] : memref<16384xf32, #tpu.memory_space<vmem>> -> memref<4096xf32, #tpu.memory_space<vmem>>
    tpu.wait_dma2 semaphore(%arg12 : memref<!tpu.dma_semaphore, #tpu.memory_space<semaphore_mem>>) src(%dma_wait3A_86 : memref<4096xf32, #tpu.memory_space<vmem>>) dst(%dma_wait3A_84 : memref<4096xf32, #tpu.memory_space<hbm>>)
    %dma_wait3A_87 = arith.constant 12288 : i32
    %dma_wait3A_88 = tpu.memref_slice %arg9[%dma_wait3A_87] : memref<16384xf32, #tpu.memory_space<vmem>> -> memref<4096xf32, #tpu.memory_space<vmem>>
    %dma_wait3A_89 = tpu.memref_slice %arg5[%add3A_69] : memref<26214400xf32, #tpu.memory_space<hbm>> -> memref<4096xf32, #tpu.memory_space<hbm>>
    %dma_wait3A_90 = tpu.memref_slice %arg5[%add3A_69] : memref<26214400xf32, #tpu.memory_space<hbm>> -> memref<4096xf32, #tpu.memory_space<hbm>>
    %dma_wait3A_91 = arith.constant 12288 : i32
    %dma_wait3A_92 = tpu.memref_slice %arg9[%dma_wait3A_91] : memref<16384xf32, #tpu.memory_space<vmem>> -> memref<4096xf32, #tpu.memory_space<vmem>>
    tpu.wait_dma2 semaphore(%arg12 : memref<!tpu.dma_semaphore, #tpu.memory_space<semaphore_mem>>) src(%dma_wait3A_92 : memref<4096xf32, #tpu.memory_space<vmem>>) dst(%dma_wait3A_90 : memref<4096xf32, #tpu.memory_space<hbm>>)
    return
  }
}

</mosaic_0001>

<sc_bundles>
// kernel: kernel.5.cloned.1.call-start
scs
__scs_entry_jumppad:
0x0: {  	(pc) =	sbr.rel $0x88, $3  }
0x1: {  	(tag) =	ssettag $0x0;
	lr =	simm.s32 $0x1  }
0x2: {  	[smem:$0x3F9F] =	sst lr;
	_ =	strace $0xD0000000  }
0x3: {  	_ = 	snop  }
0x4: {  	_ = 	snop  }
0x5: {  	_ = 	snop  }
0x6: {  	_ = 	snop  }
0x7: {  	_ = 	snop  }
__scs_overlays_trampoline_lowered:
0x8: {  	[smem:$0x3FAE] =	sst s0  }
0x9: {  	[smem:$0x3FAF] =	sst s1  }
0xa: {  	[smem:$0x3FB0] =	sst s2  }
0xb: {  	[smem:$0x3FB1] =	sst s3  }
0xc: {  	[smem:$0x3FB2] =	sst s4  }
0xd: {  	[smem:$0x3FB3] =	sst s5  }
0xe: {  	[smem:$0x3FB4] =	sst s6  }
0xf: {  	[smem:$0x3FB5] =	sst s7  }
0x10: {  	[smem:$0x3FB6] =	sst s8  }
0x11: {  	[smem:$0x3FB7] =	sst s9;
	s0 =	simm.s32 @!p0 $0x0  }
0x12: {  	s1 =	sld [smem:$0x3F9D];
	s0 =	simm.s32 @p0 $0x1  }
0x13: {  	[smem:$0x3FB8] =	sst s0;
	s0 =	simm.s32 @!p1 $0x0  }
0x14: {  	s2 =	sld [smem:$0x3F9C];
	s0 =	simm.s32 @p1 $0x1  }
0x15: {  	[smem:$0x3FB9] =	sst s0;
	s0 =	simm.s32 @!p2 $0x0  }
0x16: {  	s3 =	sld [smem:$0x3FDB];
	s0 =	simm.s32 @p2 $0x1  }
0x17: {  	s4 =	simm.s32 $0x1BF5;
	[smem:$0x3FBB] =	sst s0  }
0x18: {  	s0 =	sld [smem:$0x3F9E];
	_ =	swait.ge [sflag:s4], $0x0  }
0x19: {  	s7 =	sld [smem:$0x3F9F]  }
0x1a: {  	s8 =	sadd.s32 $0xFFFFE003, lr  }
0x1b: {  	s9 =	sadd.s32 $0xFFFFFEF7, lr;
	s5 =	simm.s32 $0xFFFFFFFF;
	p2 =	slt.u32 s8, $0xFFFFF086  }
0x1c: {  	p1 =	slt.u32 s9, $0xF7A;
	s5 =	simm.s32 @!p2 $0x0  }
0x1d: {  	s5 =	simm.s32 @p1 $0x1;
	p0 =	seq.s32 s7, s2  }
0x1e: {  	s7 =	smul.u32 @!p0 $0xF7A, s2;
	p2 =	seq.s32 @!p0 s5, $0x0  }
0x1f: {  	s9 =	smul.u32 $0xF7A, s1;
	s8 =	simm.s32 @!p0 $0x1BF5;
	p2 =	por !p2, p0  }
0x20: {  	[sflag:s8] =	ssyncset.s32 @!p0 $0xFFFFF086;
	s6 =	sadd.s32 @!p0 s3, s7;
	s7 =	simm.s32 @!p0 $0x108  }
0x21: {  	s3 =	sadd.s32 s3, s9;
	s6 =	sadd.s32 @!p0 $0x88, s6;
	s7 =	simm.s32 @p2 $0x1082  }
0x22: {  	[simem:s7], [sflag:s8] =	dma.local @!p0 [hbm:s6], $0xF7A  }
0x23: {  	s9 =	sor.u32 $0xD0000000, s2;
	s6 =	simm.s32 $0x108;
	_ =	swait.ge @!p0 [sflag:s8], $0x0  }
0x24: {  	s3 =	sadd.s32 $0x88, s3;
	s6 =	simm.s32 @!p1 $0x1082;
	[sflag:s4] =	ssyncset.s32 $0xFFFFF086  }
0x25: {  	[simem:s6], [sflag:s4] =	dma.local [hbm:s3], $0xF7A  }
0x26: {  	[smem:$0x3F9F] =	sst s1;
	(tag) =	ssettag s2;
	_ =	strace s9  }
0x27: {  	s1 =	sld [smem:$0x3FAF]  }
0x28: {  	s2 =	sld [smem:$0x3FB0]  }
0x29: {  	s4 =	sld [smem:$0x3FB2]  }
0x2a: {  	p0 =	seq.s32 s5, $0x0;
	s5 =	sld [smem:$0x3FB3]  }
0x2b: {  	s6 =	sld [smem:$0x3FB4]  }
0x2c: {  	s7 =	sld [smem:$0x3FB5]  }
0x2d: {  	s3 =	simm.s32 $0x108;
	s8 =	sld [smem:$0x3FB6]  }
0x2e: {  	s3 =	simm.s32 @!p0 $0x1082;
	s9 =	sld [smem:$0x3FB7]  }
0x2f: {  	lr =	sadd.s32 s0, s3;
	s0 =	sld [smem:$0x3FAE]  }
0x30: {  	s3 =	sld [smem:$0x3FB1]  }
0x31: {  	[smem:$0x3FBA] =	sst s10  }
0x32: {  	s10 =	sld [smem:$0x3FB8];
	_ =	sdelay $0x3  }
0x33: {  	p0 =	seq.s32 s10, $0x1;
	s10 =	sld [smem:$0x3FBA];
	_ =	sdelay $0x3  }
0x34: {  	[smem:$0x3FBA] =	sst s10  }
0x35: {  	s10 =	sld [smem:$0x3FB9];
	_ =	sdelay $0x3  }
0x36: {  	p1 =	seq.s32 s10, $0x1;
	s10 =	sld [smem:$0x3FBA];
	_ =	sdelay $0x3  }
0x37: {  	[smem:$0x3FBA] =	sst s10  }
0x38: {  	s10 =	sld [smem:$0x3FBB]  }
0x39: {  	_ = 	snop;
	(pc) =	sbr.ind lr, $3  }
0x3a: {  	_ = 	snop  }
0x3b: {  	_ = 	snop  }
0x3c: {  	p2 =	seq.s32 s10, $0x1;
	s10 =	sld [smem:$0x3FBA]  }
0x3d: {  	_ =	shalt  }
0x3e: {  	_ =	shalt  }
0x3f: {  	_ =	shalt  }
0x40: {  	_ =	shalt  }
0x41: {  	_ =	shalt  }
0x42: {  	_ =	shalt  }
0x43: {  	_ =	shalt  }
0x44: {  	_ =	shalt  }
0x45: {  	_ =	shalt  }
0x46: {  	_ =	shalt  }
0x47: {  	_ =	shalt  }
0x48: {  	_ =	shalt  }
0x49: {  	_ =	shalt  }
0x4a: {  	_ =	shalt  }
0x4b: {  	_ =	shalt  }
0x4c: {  	_ =	shalt  }
0x4d: {  	_ =	shalt  }
0x4e: {  	_ =	shalt  }
0x4f: {  	_ =	shalt  }
0x50: {  	_ =	shalt  }
0x51: {  	_ =	shalt  }
0x52: {  	_ =	shalt  }
0x53: {  	_ =	shalt  }
0x54: {  	_ =	shalt  }
0x55: {  	_ =	shalt  }
0x56: {  	_ =	shalt  }
0x57: {  	_ =	shalt  }
0x58: {  	_ =	shalt  }
0x59: {  	_ =	shalt  }
0x5a: {  	_ =	shalt  }
0x5b: {  	_ =	shalt  }
0x5c: {  	_ =	shalt  }
0x5d: {  	_ =	shalt  }
0x5e: {  	_ =	shalt  }
0x5f: {  	_ =	shalt  }
0x60: {  	_ =	shalt  }
0x61: {  	_ =	shalt  }
0x62: {  	_ =	shalt  }
0x63: {  	_ =	shalt  }
0x64: {  	_ =	shalt  }
0x65: {  	_ =	shalt  }
0x66: {  	_ =	shalt  }
0x67: {  	_ =	shalt  }
0x68: {  	_ =	shalt  }
0x69: {  	_ =	shalt  }
0x6a: {  	_ =	shalt  }
0x6b: {  	_ =	shalt  }
0x6c: {  	_ =	shalt  }
0x6d: {  	_ =	shalt  }
0x6e: {  	_ =	shalt  }
0x6f: {  	_ =	shalt  }
0x70: {  	_ =	shalt  }
0x71: {  	_ =	shalt  }
0x72: {  	_ =	shalt  }
0x73: {  	_ =	shalt  }
0x74: {  	_ =	shalt  }
0x75: {  	_ =	shalt  }
0x76: {  	_ =	shalt  }
0x77: {  	_ =	shalt  }
0x78: {  	_ =	shalt  }
0x79: {  	_ =	shalt  }
0x7a: {  	_ =	shalt  }
0x7b: {  	_ =	shalt  }
0x7c: {  	_ =	shalt  }
0x7d: {  	_ =	shalt  }
0x7e: {  	_ =	shalt  }
0x7f: {  	_ =	shalt  }
0x80: {  	_ =	shalt  }
0x81: {  	_ =	shalt  }
0x82: {  	_ =	shalt  }
0x83: {  	_ =	shalt  }
0x84: {  	_ =	shalt  }
0x85: {  	_ =	shalt  }
0x86: {  	_ =	shalt  }
0x87: {  	_ =	shalt  }
.Lfunc_end0:
.L_simem_size_0:
called_computation_lowered:
.L_overlay_start_0:
0x88: {  	s2 =	sld [smem:$0x3FD9]  }
0x89: {  	s3 =	sld [smem:$0x3FFE];
	_ =	sdelay $0x1  }
0x8a: {  	s1 =	srdreg.scid  }
0x8b: {  	s0 =	sand.u32 $0x1, s1  }
0x8c: {  	s17 =	sshll.u32 s0, $0xA;
	s2 =	sadd.s32 s3, s2  }
0x8d: {  	s2 =	sadd.s32 s2, s17  }
0x8e: {  	[smem:$0x3FC6] =	sst s2  }
0x8f: {  	_ = 	snop  }
0x90: {  	s2 =	sld [smem:$0x3FD0];
	(tm) =	ssettm $0x1  }
0x91: {  	s18 =	sld [smem:$0x3FFB];
	_ =	sdelay $0x3  }
0x92: {  	_ =	strace s18  }
0x93: {  	s3 =	sld [smem:$0x3FFC];
	_ =	sdelay $0x3  }
0x94: {  	_ =	strace s3  }
0x95: {  	s3 =	sld [smem:$0x3FFD];
	_ =	sdelay $0x3  }
0x96: {  	_ =	strace s3  }
0x97: {  	_ =	strace $0x8FFFFFFF  }
0x98: {  	s19 =	sld [smem:$0x3FDB];
	_ =	sdelay $0x1  }
0x99: {  	s4 =	simm.s32 $_scs_section_size  }
0x9a: {  	s5 =	simm.s32 $_size__tile_overlayer_lowered;
	s6 =	simm.s32 $_tile_overlayer_lowered  }
0x9b: {  	s22 =	simm.s32 $0x1BFF;
	s21 =	sshll.u32 s6, $0x1;
	s3 =	sadd.s32 s4, s19  }
0x9c: {  	s7 =	simm.s32 $0x0;
	s20 =	sshll.u32 s5, $0x1;
	s5 =	sadd.s32 s21, s3  }
0x9d: {  	[timem:s7], [sflag:s22] =	dma.local [hbm:s5], s20  }
0x9e: {  	_ =	swait.ge [sflag:s22], s20  }
0x9f: {  	s4 =	ssub.s32 $0x0, s20;
	[sflag:s22] =	ssyncset.done $0x0  }
0xa0: {  	[sflag:s22] =	ssyncadd.s32 s4;
	_ =	sdelay $0x1  }
0xa1: {  	s23 =	simm.s32 $0x1B8B  }
0xa2: {  	_ =	swait.ge [sflag:s23], $0x1  }
0xa3: {  	[sflag:s23] =	ssyncset.done $0x0  }
0xa4: {  	s25 =	simm.s32 $0x1B8E;
	s24 =	sld [smem:$0x3FFE];
	[sflag:s23] =	ssyncadd.s32 $0xFFFFFFFF  }
0xa5: {  	s26 =	simm.s32 $execute0_lowered;
	[smem:$0x3FD2] =	sst s25  }
0xa6: {  	s5 =	sshll.u32 s26, $0x1;
	_ =	strace $0x80000046;
	[dreg:$0x1] =	wrdreg $0xFFFFFFFF  }
0xa7: {  	s28 =	simm.s32 $_size_execute0_lowered;
	s3 =	sadd.s32 s3, s5;
	[dreg:$0x0] =	wrdreg $0x0  }
0xa8: {  	s5 =	sshll.u32 s28, $0x1;
	[dreg:$0x2] =	wrdreg s3  }
0xa9: {  	[dreg:$0x3] =	wrdreg s5  }
0xaa: {  	[dreg:$0x4] =	wrdreg $0xC0  }
0xab: {  	_ =	task [dreg:s7], $0x5FFFF  }
0xac: {  	[dreg:$0x1] =	wrdreg $0xFFFFFFFF  }
0xad: {  	[dreg:$0x0] =	wrdreg $0x60  }
0xae: {  	[dreg:$0x2] =	wrdreg s24  }
0xaf: {  	[dreg:$0x3] =	wrdreg s2  }
0xb0: {  	[dreg:$0x4] =	wrdreg $0x9  }
0xb1: {  	_ =	task.clear_ibuf [dreg:s7], $0x5FFFF;
	_ =	strace $0x90000046  }
0xb2: {  	s29 =	simm.s32 $0x9;
	_ =	strace $0x80000048  }
0xb3: {  	_ =	swait.ge [sflag:s29], $0x1  }
0xb4: {  	[sflag:s29] =	ssyncadd.s32 $0xFFFFFFFF  }
0xb5: {  	_ =	strace $0x90000048  }
0xb6: {  	_ =	sfence  }
0xb7: {  	s30 =	sld [smem:$0x0];
	_ =	sdelay $0x2  }
0xb8: {  	s31 =	sshll.u32 s1, $0xD;
	s1 =	sshrl.u32 s1, $0x2  }
0xb9: {  	s3 =	sand.u32 $0x4000, s31;
	s1 =	sadd.s32 s1, s30  }
0xba: {  	s0 =	sor.u32 s3, s0;
	s1 =	sshll.u32 s1, $0x11  }
0xbb: {  	s0 =	sor.u32 s1, s0  }
0xbc: {  	s0 =	sadd.s32 $0x8F2B, s0  }
0xbd: {  	[sflag:s0] =	ssyncadd.remote.s32 $0x1  }
0xbe: {  	_ =	sfence.sel $0xFFFF  }
0xbf: {  	[dreg:$0x0] =	wrdreg $0xFFFFFFFF;
	(pc) =	sbr.abs _section_cstart, $3  }
0xc0: {  	[dreg:$0x1] =	wrdreg $0xFFFFFFFF  }
0xc1: {  	_ =	task.clear_ibuf [dreg:s7], $0x2FFFF;
	_ =	strace $0x9FFFFFFF  }
0xc2: {  	(tm) =	ssettm $0x7FFFFFFF  }
0xc3: {  	_ =	shalt  }
tec
execute0_lowered:
.L_overlay_start_1:
0x0: {  	(tag) =	ssettag $0x1  }
0x1: {  	v0 =	vimm.s32 $0xEFCDAB89  }
0x2: {  	vm0 =	vcmask $0xB08;
	vm1 =	vcmask $0x300;
	v1 =	vimm.s32 $0x67452301  }
0x3: {  	v2 =	vimm.s32 $0xDCFE98BA;
	v3 =	vimm.s32 $0x54761032;
	vm2 =	vcmask $0x700  }
0x4: {  	vm3 =	vcmask $0x3B38;
	v4 =	vimm.s32 $0xFEDCBA98;
	v5 =	vimm.s32 $0x76543210  }
0x5: {  	v0 =	vunpack.c.l.s4.s8 v0;
	vm0 =	vmor vm1, vm0;
	vm1 =	vcmask $0x1310  }
0x6: {  	v1 =	vunpack.c.l.s4.s8 v1;
	v2 =	vunpack.c.l.s4.s8 v2;
	v3 =	vunpack.c.l.s4.s8 v3  }
0x7: {  	vm0 =	vmor vm0, vm1;
	vm1 =	vcmask $0x1B18;
	v0 =	vunpack.c.0.s8.s32 v0  }
0x8: {  	s0 =	rddreg [dreg:$0x0];
	vm0 =	vmor vm0, vm1;
	vm1 =	vcmask $0x2320;
	v1 =	vunpack.c.0.s8.s32 v1  }
0x9: {  	s1 =	rddreg [dreg:$0x1];
	s2 =	simm.s32 $0x0;
	v4 =	vunpack.c.l.s4.s8 v4;
	vm0 =	vmor vm0, vm1;
	vm1 =	vcmask $0x2B28  }
0xa: {  	s4 =	srdreg.scid;
	s3 =	stileid.u32;
	s12 =	simm.s32 $0x200;
	v0 =	vcombine.low v1, v0;
	v1 =	vunpack.c.0.s8.s32 v2;
	v2 =	vunpack.c.0.s8.s32 v3  }
0xb: {  	s13 =	simm.s32 $0x4000;
	s14 =	simm.s32 $0x4;
	s15 =	simm.s32 $0x6600;
	vm0 =	vmor vm0, vm1;
	vm1 =	vcmask $0x3330;
	v3 =	vimm.s32 $0x32107654  }
0xc: {  	s16 =	simm.s32 $0x6400;
	s17 =	simm.s32 $0x1;
	s18 =	simm.s32 $0x2;
	vm0 =	vmor vm0, vm1;
	v1 =	vcombine.low v2, v1;
	v2 =	vimm.s32 $0xBA98FEDC  }
0xd: {  	s19 =	simm.s32 $0xA600;
	s20 =	simm.s32 $0xB600;
	s21 =	simm.s32 $0xC600;
	vm1 =	vcmask $0x1710;
	v3 =	vunpack.c.l.s4.s8 v3;
	v2 =	vunpack.c.l.s4.s8 v2  }
0xe: {  	s22 =	simm.s32 $0xD600;
	s23 =	simm.s32 $0x3;
	s24 =	simm.s32 $0x0;
	v5 =	vunpack.c.l.s4.s8 v5;
	v4 =	vunpack.c.0.s8.s32 v4;
	vm1 =	vmor vm2, vm1  }
0xf: {  	[smem:$0x7FF] =	sst s2;
	s6 =	sand.u32 $0x1, s4;
	s5 =	sshll.u32 s3, $0xA;
	vm2 =	vcmask $0x2720;
	v3 =	vunpack.c.0.s8.s32 v3;
	v2 =	vunpack.c.0.s8.s32 v2  }
0x10: {  	s4 =	sadd.s32 $0xF61400, s0;
	s10 =	sadd.s32 $0xC000, s1;
	s7 =	sshll.u32 s6, $0x9;
	v4 =	vand.u32 $0xF, v4;
	vm0 =	vmor vm0, vm3;
	vm1 =	vmor vm1, vm2  }
0x11: {  	_ =	strace $0x80000047;
	s31 =	ssub.s32 $0x2, s6;
	s5 =	sor.u32 s7, s5;
	vm2 =	vcmask $0x3730;
	v2 =	vcombine.low v3, v2;
	v3 =	vunpack.c.0.s8.s32 v5  }
0x12: {  	s6 =	sadd.s32 $0x600, s0;
	s9 =	sshrl.u32 s31, $0x1;
	s8 =	sshrl.u32 s5, $0x3;
	vm3 =	vcmask $0xF00;
	v0 =	vand.u32 $0xF, v0;
	vm1 =	vmor vm1, vm2  }
0x13: {  	s11 =	ssub.s32 s31, s9;
	s9 =	sadd.s32 $0x8000, s1;
	s0 =	sadd.s32 s8, s0;
	vm2 =	vcmask $0x2F20;
	v1 =	vand.u32 $0xF, v1;
	v3 =	vcombine.low v4, v3  }
0x14: {  	s8 =	sadd.s32 $0x4000, s1;
	s11 =	smax.u32 s11, $0x1;
	s7 =	sadd.s32 $0x1F000, s0;
	vm2 =	vmor vm3, vm2;
	vm3 =	vmmov $0xff;
	v2 =	vand.u32 $0xF, v2  }
.LBB2_1:
0x15: {  	[tilespmem:s2], [sflag:$0x4] =	stream.strided.gather [hbm4b:s7+s12], $0x6400, s13, s12, $0x38;
	[tilespmem:$0xE600] =	vst v63  }
0x16: {  	_ =	swait.ge [sflag:s14], $0x6400  }
0x17: {  	[sflag:s14] =	ssyncset.done $0x0  }
0x18: {  	s25 =	simm.s32 $0x0;
	[sflag:s14] =	ssyncadd.s32 $0xFFFF9C00  }
.LBB2_2:
0x19: {  	s0 =	sshll.u32 s25, $0x9  }
0x1a: {  	s0 =	sand.u32 $0x3FFFFE00, s0  }
0x1b: {  	[tilespmem:s15], [sflag:$0x1] =	stream.indirect.gather [hbm4b:s4+s12], $0x20, s0, s12, $0xb8;
	[tilespmem:$0xE600] =	vst v63  }
0x1c: {  	_ = 	snop  }
0x1d: {  	[tilespmem:s16], [sflag:$0x2] =	stream.indirect.gather [hbm4b:s6+s12], $0x1, s0, s12, $0xb8;
	[tilespmem:$0xE600] =	vst v63  }
0x1e: {  	_ =	swait.ge [sflag:s17], $0x4000  }
0x1f: {  	[sflag:s17] =	ssyncset.done $0x0  }
0x20: {  	[sflag:s17] =	ssyncadd.s32 $0xFFFFC000  }
0x21: {  	_ =	swait.ge [sflag:s18], $0x200  }
0x22: {  	p0 =	seq.s32 s25, $0x0;
	[sflag:s18] =	ssyncset.done $0x0  }
0x23: {  	s0 =	simm.s32 @!p0 $0x3;
	[sflag:s18] =	ssyncadd.s32 $0xFFFFFE00  }
0x24: {  	_ =	swait.ge @!p0 [sflag:s0], $0x1000  }
0x25: {  	[sflag:s0] =	ssyncset.done @!p0 $0x0  }
0x26: {  	[sflag:s0] =	ssyncadd.s32 @!p0 $0xFFFFF000  }
0x27: {  	_ =	swait.ge @!p0 [sflag:s0], $0x1000  }
0x28: {  	[sflag:s0] =	ssyncset.done @!p0 $0x0  }
0x29: {  	[sflag:s0] =	ssyncadd.s32 @!p0 $0xFFFFF000  }
0x2a: {  	_ =	swait.ge @!p0 [sflag:s0], $0x1000  }
0x2b: {  	[sflag:s0] =	ssyncset.done @!p0 $0x0  }
0x2c: {  	[sflag:s0] =	ssyncadd.s32 @!p0 $0xFFFFF000  }
0x2d: {  	_ =	swait.ge @!p0 [sflag:s0], $0x1000  }
0x2e: {  	[sflag:s0] =	ssyncset.done @!p0 $0x0  }
0x2f: {  	[sflag:s0] =	ssyncadd.s32 @!p0 $0xFFFFF000;
	s0 =	simm.s32 $0x6700  }
0x30: {  	v4 =	vld [tilespmem:s0+$0xFFFFFF00]  }
0x31: {  	v5 =	vld [tilespmem:s0+$0xFFFFFF20]  }
0x32: {  	v6 =	vld [tilespmem:s0+$0xFFFFFF40]  }
0x33: {  	v7 =	vld [tilespmem:s0+$0xFFFFFF60]  }
0x34: {  	v8 =	vld [tilespmem:s0+$0xFFFFFF80]  }
0x35: {  	v9 =	vld [tilespmem:s0+$0xFFFFFFA0]  }
0x36: {  	v10 =	vld [tilespmem:s0+$0xFFFFFFC0]  }
0x37: {  	v11 =	vld [tilespmem:s0+$0xFFFFFFE0]  }
0x38: {  	v12 =	vld [tilespmem:s0+$0x0]  }
0x39: {  	v13 =	vld [tilespmem:s0+$0x20]  }
0x3a: {  	v14 =	vld [tilespmem:s0+$0x40]  }
0x3b: {  	v15 =	vld [tilespmem:s0+$0x60]  }
0x3c: {  	v16 =	vld [tilespmem:s0+$0x80]  }
0x3d: {  	v17 =	vld [tilespmem:s0+$0xA0];
	v18 =	vperm.xlane v4, v0;
	v19 =	vperm.xlane v5, v0  }
0x3e: {  	v20 =	vld [tilespmem:s0+$0xC0];
	v21 =	vperm.xlane v6, v0;
	v22 =	vperm.xlane v7, v0  }
0x3f: {  	v23 =	vld [tilespmem:s0+$0xE0];
	v24 =	vperm.xlane v8, v0;
	v25 =	vperm.xlane v9, v0  }
0x40: {  	v26 =	vperm.xlane v10, v0;
	v27 =	vperm.xlane v11, v0  }
0x41: {  	v28 =	vperm.xlane v12, v0;
	v29 =	vperm.xlane v13, v0  }
0x42: {  	v30 =	vperm.xlane v14, v0;
	v31 =	vperm.xlane v15, v0  }
0x43: {  	v32 =	vperm.xlane v16, v0;
	v33 =	vperm.xlane v17, v0  }
0x44: {  	v34 =	vperm.xlane v20, v0;
	v35 =	vperm.xlane v23, v0  }
0x45: {  	v4 =	vsel vm0, v4, v19;
	v5 =	vsel vm0, v18, v5;
	v6 =	vsel vm0, v6, v22  }
0x46: {  	v7 =	vsel vm0, v21, v7;
	v8 =	vsel vm0, v8, v25;
	v9 =	vsel vm0, v24, v9  }
0x47: {  	v10 =	vsel vm0, v10, v27;
	v11 =	vsel vm0, v26, v11;
	v12 =	vsel vm0, v12, v29  }
0x48: {  	v13 =	vsel vm0, v28, v13;
	v18 =	vperm.xlane v4, v1;
	v19 =	vperm.xlane v6, v1  }
0x49: {  	v14 =	vsel vm0, v14, v31;
	v21 =	vperm.xlane v5, v1;
	v22 =	vperm.xlane v7, v1  }
0x4a: {  	v15 =	vsel vm0, v30, v15;
	v24 =	vperm.xlane v8, v1;
	v25 =	vperm.xlane v10, v1  }
0x4b: {  	v16 =	vsel vm0, v16, v33;
	v26 =	vperm.xlane v9, v1;
	v27 =	vperm.xlane v11, v1  }
0x4c: {  	v17 =	vsel vm0, v32, v17;
	v28 =	vperm.xlane v12, v1;
	v29 =	vperm.xlane v14, v1  }
0x4d: {  	v20 =	vsel vm0, v20, v35;
	v30 =	vperm.xlane v13, v1;
	v31 =	vperm.xlane v15, v1  }
0x4e: {  	v23 =	vsel vm0, v34, v23;
	v51 =	vperm.xlane v16, v1;
	v52 =	vperm.xlane v20, v1  }
0x4f: {  	v34 =	vperm.xlane v23, v1;
	v4 =	vsel vm1, v4, v19;
	v19 =	vperm.xlane v17, v1  }
0x50: {  	v6 =	vsel vm1, v18, v6;
	v5 =	vsel vm1, v5, v22;
	v7 =	vsel vm1, v21, v7  }
0x51: {  	v8 =	vsel vm1, v8, v25;
	v10 =	vsel vm1, v24, v10;
	v9 =	vsel vm1, v9, v27  }
0x52: {  	v11 =	vsel vm1, v26, v11;
	v12 =	vsel vm1, v12, v29;
	v18 =	vperm.xlane v4, v2  }
0x53: {  	v14 =	vsel vm1, v28, v14;
	v21 =	vperm.xlane v8, v2;
	v22 =	vperm.xlane v5, v2  }
0x54: {  	v13 =	vsel vm1, v13, v31;
	v24 =	vperm.xlane v9, v2;
	v25 =	vperm.xlane v6, v2  }
0x55: {  	v15 =	vsel vm1, v30, v15;
	v26 =	vperm.xlane v10, v2;
	v27 =	vperm.xlane v7, v2  }
0x56: {  	v16 =	vsel vm1, v16, v52;
	v28 =	vperm.xlane v11, v2;
	v29 =	vperm.xlane v12, v2  }
0x57: {  	v17 =	vsel vm1, v17, v34;
	v30 =	vperm.xlane v16, v2;
	v31 =	vperm.xlane v13, v2  }
0x58: {  	v20 =	vsel vm1, v51, v20;
	v53 =	vperm.xlane v17, v2;
	v54 =	vperm.xlane v14, v2  }
0x59: {  	v55 =	vperm.xlane v15, v2;
	v19 =	vsel vm1, v19, v23;
	v23 =	vperm.xlane v20, v2  }
0x5a: {  	v21 =	vsel vm2, v4, v21;
	v8 =	vsel vm2, v18, v8;
	v18 =	vperm.xlane v19, v2  }
0x5b: {  	s26 =	simm.s32 $0x6400;
	v5 =	vsel vm2, v5, v24;
	v9 =	vsel vm2, v22, v9;
	v6 =	vsel vm2, v6, v26  }
0x5c: {  	v4 =	vld [tilespmem:s26+$0x0];
	v10 =	vsel vm2, v25, v10;
	v7 =	vsel vm2, v7, v28;
	v11 =	vsel vm2, v27, v11  }
0x5d: {  	v12 =	vsel vm2, v12, v30;
	v16 =	vsel vm2, v29, v16;
	v13 =	vsel vm2, v13, v53  }
0x5e: {  	v17 =	vsel vm2, v31, v17;
	v20 =	vsel vm2, v54, v20;
	v22 =	vperm.xlane v12, v3  }
0x5f: {  	v19 =	vsel vm2, v55, v19;
	v15 =	vsel vm2, v15, v18;
	v18 =	vperm.xlane v13, v3  }
0x60: {  	s3 =	simm.s32 $0x0;
	v14 =	vsel vm2, v14, v23;
	v22 =	vsel vm3, v21, v22;
	v21 =	vperm.xlane v21, v3  }
0x61: {  	s28 =	sand.u32 $0x70, s3;
	s26 =	sand.u32 $0xC00, s3;
	v23 =	vperm.xlane v14, v3;
	v18 =	vsel vm3, v5, v18;
	v22 =	vmul.f32 v22, v4  }
0x62: {  	s26 =	sor.u32 s28, s26;
	v24 =	vperm.xlane v15, v3;
	v18 =	vmul.f32 v18, v4;
	v12 =	vsel vm3, v21, v12  }
0x63: {  	v23 =	vsel vm3, v6, v23;
	v5 =	vperm.xlane v5, v3;
	v12 =	vmul.f32 v12, v4;
	[tilespmem:s26+$0xA600] =	vst v22  }
0x64: {  	v6 =	vperm.xlane v6, v3;
	v24 =	vsel vm3, v7, v24;
	v22 =	vmul.f32 v23, v4;
	[tilespmem:s26+$0xA680] =	vst v18  }
0x65: {  	v25 =	vperm.xlane v16, v3;
	v5 =	vsel vm3, v5, v13;
	v18 =	vmul.f32 v24, v4;
	[tilespmem:s26+$0xB600] =	vst v12  }
0x66: {  	v26 =	vperm.xlane v17, v3;
	v6 =	vsel vm3, v6, v14;
	v5 =	vmul.f32 v5, v4;
	[tilespmem:s26+$0xA700] =	vst v22  }
0x67: {  	v7 =	vperm.xlane v7, v3;
	v23 =	vsel vm3, v8, v25;
	v6 =	vmul.f32 v6, v4;
	[tilespmem:s26+$0xA780] =	vst v18  }
0x68: {  	v24 =	vsel vm3, v9, v26;
	v8 =	vperm.xlane v8, v3;
	v22 =	vmul.f32 v23, v4;
	[tilespmem:s26+$0xB680] =	vst v5  }
0x69: {  	s28 =	simm.s32 $0x6900;
	v25 =	vperm.xlane v20, v3;
	v7 =	vsel vm3, v7, v15;
	v18 =	vmul.f32 v24, v4;
	[tilespmem:s26+$0xB700] =	vst v6  }
0x6a: {  	v32 =	vld [tilespmem:s28+$0xFFFFFF40];
	v26 =	vperm.xlane v19, v3;
	v8 =	vsel vm3, v8, v16;
	v5 =	vmul.f32 v7, v4;
	[tilespmem:s26+$0xA800] =	vst v22  }
0x6b: {  	v33 =	vld [tilespmem:s28+$0xFFFFFF60];
	v9 =	vperm.xlane v9, v3;
	v23 =	vsel vm3, v10, v25;
	v6 =	vmul.f32 v8, v4;
	[tilespmem:s26+$0xA880] =	vst v18  }
0x6c: {  	v58 =	vld [tilespmem:s28+$0xFFFFFF80];
	v24 =	vsel vm3, v11, v26;
	v10 =	vperm.xlane v10, v3;
	v22 =	vmul.f32 v23, v4;
	[tilespmem:s26+$0xB780] =	vst v5  }
0x6d: {  	v37 =	vld [tilespmem:s28+$0xFFFFFFA0];
	v7 =	vsel vm3, v9, v17;
	v9 =	vperm.xlane v11, v3;
	v18 =	vmul.f32 v24, v4;
	[tilespmem:s26+$0xB800] =	vst v6  }
0x6e: {  	v59 =	vld [tilespmem:s28+$0x20];
	v8 =	vsel vm3, v10, v20;
	v5 =	vmul.f32 v7, v4;
	[tilespmem:s26+$0xA900] =	vst v22  }
0x6f: {  	v39 =	vld [tilespmem:s28+$0x60];
	v7 =	vsel vm3, v9, v19;
	v6 =	vmul.f32 v8, v4;
	[tilespmem:s26+$0xA980] =	vst v18  }
0x70: {  	v44 =	vld [tilespmem:s28+$0xA0];
	[tilespmem:s26+$0xB880] =	vst v5;
	v5 =	vmul.f32 v7, v4  }
0x71: {  	v47 =	vld [tilespmem:s28+$0xC0];
	[tilespmem:s26+$0xB900] =	vst v6  }
0x72: {  	v50 =	vld [tilespmem:s28+$0xE0];
	[tilespmem:s26+$0xB980] =	vst v5  }
0x73: {  	v5 =	vld [tilespmem:s0+$0xFFFFFF10]  }
0x74: {  	v6 =	vld [tilespmem:s0+$0xFFFFFF30]  }
0x75: {  	v7 =	vld [tilespmem:s0+$0xFFFFFF50]  }
0x76: {  	v46 =	vperm.xlane v32, v0;
	v8 =	vld [tilespmem:s0+$0xFFFFFF70]  }
0x77: {  	v48 =	vperm.xlane v33, v0;
	v49 =	vperm.xlane v58, v0;
	v10 =	vld [tilespmem:s0+$0xFFFFFFB0]  }
0x78: {  	v51 =	vperm.xlane v37, v0;
	v61 =	vperm.xlane v59, v0;
	v11 =	vld [tilespmem:s0+$0xFFFFFFD0]  }
0x79: {  	v62 =	vperm.xlane v39, v0;
	v52 =	vperm.xlane v47, v0;
	v13 =	vld [tilespmem:s0+$0xFFFFFFF0]  }
0x7a: {  	v63 =	vperm.xlane v44, v0;
	v33 =	vsel vm0, v46, v33;
	v35 =	vsel vm0, v58, v51;
	v9 =	vld [tilespmem:s0+$0xFFFFFF90]  }
0x7b: {  	v37 =	vsel vm0, v49, v37;
	v49 =	vsel vm0, v52, v50;
	v58 =	vperm.xlane v33, v1  }
0x7c: {  	v52 =	vperm.xlane v49, v1;
	v16 =	vld [tilespmem:s0+$0x50];
	v12 =	vperm.xlane v6, v0  }
0x7d: {  	v20 =	vld [tilespmem:s0+$0xD0];
	v15 =	vperm.xlane v8, v0;
	v19 =	vperm.xlane v10, v0  }
0x7e: {  	v14 =	vld [tilespmem:s0+$0x10];
	v22 =	vperm.xlane v13, v0;
	v24 =	vperm.xlane v11, v0;
	v12 =	vsel vm0, v5, v12  }
0x7f: {  	v23 =	vld [tilespmem:s0+$0x70];
	v15 =	vsel vm0, v7, v15;
	v5 =	vperm.xlane v5, v0;
	v19 =	vsel vm0, v9, v19  }
0x80: {  	v18 =	vld [tilespmem:s0+$0x90];
	v7 =	vperm.xlane v7, v0;
	v9 =	vperm.xlane v9, v0;
	v11 =	vsel vm0, v11, v22  }
0x81: {  	v26 =	vld [tilespmem:s0+$0xF0];
	v17 =	vperm.xlane v12, v1;
	v21 =	vperm.xlane v15, v1;
	v25 =	vsel vm0, v5, v6  }
0x82: {  	v5 =	vperm.xlane v16, v0;
	v7 =	vsel vm0, v7, v8;
	v8 =	vperm.xlane v20, v0  }
0x83: {  	v9 =	vsel vm0, v9, v10;
	v15 =	vsel vm1, v17, v15;
	v17 =	vld [tilespmem:s0+$0x30];
	v27 =	vperm.xlane v25, v1  }
0x84: {  	v10 =	vsel vm0, v24, v13;
	v12 =	vsel vm1, v12, v21;
	v21 =	vld [tilespmem:s0+$0xB0];
	v28 =	vsel vm0, v5, v23  }
0x85: {  	v23 =	vperm.xlane v23, v0;
	v24 =	vsel vm1, v27, v7;
	v7 =	vperm.xlane v7, v1  }
0x86: {  	v22 =	vperm.xlane v14, v0;
	v6 =	vperm.xlane v18, v0;
	v8 =	vsel vm0, v8, v26  }
0x87: {  	v5 =	vperm.xlane v24, v2;
	v16 =	vsel vm0, v16, v23;
	v23 =	vsel vm1, v25, v7  }
0x88: {  	v25 =	vperm.xlane v16, v1;
	v13 =	vsel vm0, v22, v17;
	v22 =	vperm.xlane v9, v1  }
0x89: {  	v29 =	vsel vm0, v6, v21;
	v17 =	vperm.xlane v17, v0;
	v21 =	vperm.xlane v21, v0  }
0x8a: {  	v27 =	vperm.xlane v13, v1;
	v6 =	vperm.xlane v29, v1;
	v30 =	vsel vm1, v22, v10  }
0x8b: {  	v14 =	vsel vm0, v14, v17;
	v17 =	vperm.xlane v26, v0;
	v18 =	vsel vm0, v18, v21  }
0x8c: {  	v21 =	vperm.xlane v19, v1;
	v10 =	vperm.xlane v10, v1;
	v27 =	vsel vm1, v27, v28  }
0x8d: {  	v5 =	vsel vm2, v5, v30;
	v7 =	vperm.xlane v14, v1;
	v26 =	vperm.xlane v18, v1  }
0x8e: {  	v31 =	vsel vm1, v6, v8;
	v8 =	vperm.xlane v8, v1;
	v22 =	vperm.xlane v27, v2  }
0x8f: {  	v56 =	vperm.xlane v5, v3;
	v17 =	vsel vm0, v20, v17;
	v20 =	vperm.xlane v11, v1  }
0x90: {  	v11 =	vsel vm1, v21, v11;
	v9 =	vsel vm1, v9, v10;
	v10 =	vsel vm1, v14, v25  }
0x91: {  	v21 =	vperm.xlane v17, v1;
	v14 =	vsel vm1, v7, v16;
	v17 =	vsel vm1, v26, v17  }
0x92: {  	v6 =	vsel vm2, v22, v31;
	v19 =	vsel vm1, v19, v20;
	v20 =	vperm.xlane v28, v1  }
0x93: {  	v36 =	vperm.xlane v14, v2;
	v31 =	vperm.xlane v31, v2;
	v16 =	vsel vm1, v18, v21  }
0x94: {  	v7 =	vperm.xlane v19, v2;
	v18 =	vsel vm1, v29, v8;
	v8 =	vperm.xlane v12, v2  }
0x95: {  	v22 =	vsel vm3, v56, v6;
	v21 =	vperm.xlane v9, v2;
	v29 =	vperm.xlane v11, v2  }
0x96: {  	v25 =	vld [tilespmem:s28+$0xFFFFFF00];
	v56 =	vperm.xlane v50, v0;
	v22 =	vmul.f32 v22, v4;
	v13 =	vsel vm1, v13, v20  }
0x97: {  	v20 =	vperm.xlane v23, v2;
	v27 =	vsel vm2, v27, v31;
	v28 =	vsel vm2, v12, v7  }
0x98: {  	v26 =	vld [tilespmem:s28+$0xFFFFFF20];
	v12 =	vperm.xlane v15, v2;
	v7 =	vsel vm2, v8, v19;
	v19 =	vperm.xlane v30, v2  }
0x99: {  	v30 =	vperm.xlane v10, v2;
	v21 =	vsel vm2, v23, v21;
	v23 =	vperm.xlane v16, v2  }
0x9a: {  	v57 =	vperm.xlane v13, v2;
	v29 =	vsel vm2, v15, v29;
	v15 =	vperm.xlane v17, v2  }
0x9b: {  	v32 =	vsel vm0, v32, v48;
	v42 =	vperm.xlane v27, v3;
	v43 =	vperm.xlane v25, v0  }
0x9c: {  	v8 =	vsel vm2, v20, v9;
	v20 =	vperm.xlane v18, v2;
	v60 =	vperm.xlane v29, v3  }
0x9d: {  	v45 =	vperm.xlane v26, v0;
	v9 =	vsel vm2, v12, v11;
	v24 =	vsel vm2, v24, v19  }
0x9e: {  	v19 =	vsel vm2, v10, v23;
	v12 =	vsel vm2, v30, v16;
	v11 =	vsel vm2, v57, v18  }
0x9f: {  	v14 =	vsel vm2, v14, v15;
	v10 =	vsel vm2, v36, v17;
	v18 =	vperm.xlane v21, v3  }
0xa0: {  	v57 =	vperm.xlane v32, v1;
	v16 =	vsel vm2, v13, v20;
	v13 =	vperm.xlane v28, v3  }
0xa1: {  	v41 =	vld [tilespmem:s28+$0x80];
	v26 =	vsel vm0, v43, v26;
	v15 =	vperm.xlane v19, v3;
	v40 =	vperm.xlane v24, v3  }
0xa2: {  	v38 =	vld [tilespmem:s28+$0xFFFFFFC0];
	v25 =	vsel vm0, v25, v45;
	v36 =	vperm.xlane v26, v1;
	v45 =	vsel vm0, v47, v56  }
0xa3: {  	v31 =	vld [tilespmem:s28+$0x40];
	v58 =	vsel vm1, v26, v58;
	v20 =	vperm.xlane v16, v3;
	v56 =	vperm.xlane v45, v1  }
0xa4: {  	v23 =	vld [tilespmem:s28+$0xFFFFFFE0];
	v17 =	vsel vm3, v28, v15;
	v28 =	vperm.xlane v14, v3;
	v13 =	vsel vm3, v13, v19  }
0xa5: {  	v30 =	vld [tilespmem:s28+$0x0];
	v15 =	vsel vm3, v18, v16;
	v16 =	vsel vm3, v60, v14;
	v18 =	vsel vm3, v40, v27  }
0xa6: {  	v27 =	vperm.xlane v41, v0;
	v40 =	vsel vm0, v41, v63;
	v41 =	vperm.xlane v37, v1  }
0xa7: {  	v33 =	vsel vm1, v36, v33;
	v19 =	vsel vm3, v21, v20;
	v21 =	vsel vm3, v24, v42  }
0xa8: {  	v24 =	vperm.xlane v31, v0;
	v31 =	vsel vm0, v31, v62;
	v63 =	vperm.xlane v40, v1  }
0xa9: {  	v40 =	vsel vm1, v40, v56;
	v20 =	vsel vm3, v29, v28;
	v28 =	vperm.xlane v38, v0  }
0xaa: {  	v29 =	vperm.xlane v23, v0;
	v14 =	vperm.xlane v30, v0;
	v27 =	vsel vm0, v27, v44  }
0xab: {  	v60 =	vperm.xlane v31, v1;
	v48 =	vperm.xlane v40, v2;
	v24 =	vsel vm0, v24, v39  }
0xac: {  	v39 =	vperm.xlane v35, v1;
	v45 =	vsel vm1, v63, v45;
	v29 =	vsel vm0, v38, v29  }
0xad: {  	v23 =	vsel vm0, v28, v23;
	v28 =	vsel vm0, v30, v61;
	v30 =	vperm.xlane v25, v1  }
0xae: {  	v62 =	vperm.xlane v24, v1;
	v25 =	vsel vm1, v25, v57;
	v57 =	vperm.xlane v27, v1  }
0xaf: {  	v14 =	vsel vm0, v14, v59;
	v38 =	vperm.xlane v58, v2;
	v63 =	vperm.xlane v45, v2  }
0xb0: {  	v27 =	vsel vm1, v27, v52;
	v42 =	vperm.xlane v29, v1;
	v59 =	vperm.xlane v23, v1  }
0xb1: {  	v44 =	vperm.xlane v28, v1;
	v61 =	vperm.xlane v14, v1;
	v29 =	vsel vm1, v39, v29  }
0xb2: {  	v23 =	vsel vm1, v41, v23;
	v28 =	vsel vm1, v28, v60;
	v30 =	vsel vm1, v30, v32  }
0xb3: {  	v39 =	vsel vm1, v14, v62;
	v43 =	vperm.xlane v29, v2;
	v46 =	vperm.xlane v23, v2  }
0xb4: {  	v47 =	vperm.xlane v28, v2;
	v49 =	vsel vm1, v57, v49;
	v36 =	vsel vm2, v28, v48  }
0xb5: {  	v26 =	vsel vm1, v35, v42;
	v35 =	vsel vm1, v37, v59;
	v59 =	vperm.xlane v25, v2  }
0xb6: {  	v37 =	vsel vm1, v44, v31;
	v41 =	vperm.xlane v30, v2;
	v44 =	vperm.xlane v33, v2  }
0xb7: {  	v42 =	vsel vm1, v61, v24;
	v60 =	vperm.xlane v39, v2;
	v61 =	vperm.xlane v27, v2  }
0xb8: {  	v55 =	vperm.xlane v49, v2;
	v50 =	vperm.xlane v36, v3  }
0xb9: {  	v31 =	vperm.xlane v26, v2;
	v14 =	vperm.xlane v35, v2  }
0xba: {  	v62 =	vperm.xlane v37, v2;
	v53 =	vperm.xlane v42, v2  }
0xbb: {  	s29 =	simm.s32 $0x6410;
	v24 =	vsel vm2, v38, v35;
	v32 =	vsel vm2, v33, v46;
	v34 =	vsel vm2, v37, v63  }
0xbc: {  	v26 =	vsel vm2, v59, v26;
	v23 =	vsel vm2, v44, v23;
	v56 =	vsel vm2, v58, v14;
	v14 =	vld [tilespmem:s29+$0x0]  }
0xbd: {  	v35 =	vsel vm2, v39, v61;
	v33 =	vsel vm2, v42, v55;
	v52 =	vperm.xlane v34, v3  }
0xbe: {  	v54 =	vsel vm2, v25, v31;
	v31 =	vsel vm2, v30, v43;
	v25 =	vsel vm2, v41, v29  }
0xbf: {  	v30 =	vsel vm2, v47, v40;
	v29 =	vsel vm2, v60, v27;
	v51 =	vperm.xlane v35, v3  }
0xc0: {  	s30 =	simm.s32 $0x10;
	s3 =	simm.s32 $0x80;
	v27 =	vsel vm2, v62, v45;
	v28 =	vsel vm2, v53, v49;
	v37 =	vsel vm3, v54, v50  }
0xc1: {  	s31 =	sand.u32 $0x70, s30;
	s0 =	sand.u32 $0xC00, s3;
	v53 =	vperm.xlane v33, v3;
	v38 =	vsel vm3, v56, v51;
	v37 =	vmul.f32 v37, v14  }
0xc2: {  	s0 =	sor.u32 s31, s0;
	[tilespmem:s26+$0xD980] =	vst v22;
	v22 =	vsel vm3, v31, v52;
	v55 =	vperm.xlane v30, v3;
	v38 =	vmul.f32 v38, v14  }
0xc3: {  	v57 =	vperm.xlane v29, v3;
	v40 =	vsel vm3, v32, v53;
	v22 =	vmul.f32 v22, v14;
	[tilespmem:s0+$0xA600] =	vst v37  }
0xc4: {  	v59 =	vperm.xlane v27, v3;
	v58 =	vsel vm3, v26, v55;
	v60 =	vmul.f32 v40, v14;
	[tilespmem:s0+$0xA680] =	vst v38  }
0xc5: {  	v62 =	vperm.xlane v28, v3;
	v61 =	vsel vm3, v24, v57;
	v63 =	vmul.f32 v58, v14;
	[tilespmem:s0+$0xA700] =	vst v22  }
0xc6: {  	v39 =	vsel vm3, v25, v59;
	v22 =	vperm.xlane v54, v3;
	[tilespmem:s0+$0xA780] =	vst v60;
	v38 =	vmul.f32 v61, v14  }
0xc7: {  	s31 =	simm.s32 $0x100;
	v40 =	vsel vm3, v23, v62;
	v39 =	vmul.f32 v39, v14;
	v37 =	vperm.xlane v56, v3;
	[tilespmem:s0+$0xA800] =	vst v63  }
.LBB2_3:
0xc8: {  	p0 =	sne.s32 s31, $0xF80;
	v22 =	vsel vm3, v22, v36;
	v31 =	vperm.xlane v31, v3;
	[tilespmem:s0+$0xA880] =	vst v38;
	v36 =	vmul.f32 v40, v14  }
0xc9: {  	v32 =	vperm.xlane v32, v3;
	v35 =	vsel vm3, v37, v35;
	[tilespmem:s0+$0xA900] =	vst v39;
	v22 =	vmul.f32 v22, v14  }
0xca: {  	v26 =	vperm.xlane v26, v3;
	v31 =	vsel vm3, v31, v34;
	[tilespmem:s0+$0xA980] =	vst v36;
	v34 =	vmul.f32 v35, v14  }
0xcb: {  	v24 =	vperm.xlane v24, v3;
	v32 =	vsel vm3, v32, v33;
	[tilespmem:s0+$0xB600] =	vst v22;
	v22 =	vmul.f32 v31, v14  }
0xcc: {  	v25 =	vperm.xlane v25, v3;
	v26 =	vsel vm3, v26, v30;
	v30 =	vmul.f32 v32, v14;
	[tilespmem:s0+$0xB680] =	vst v34  }
0xcd: {  	v23 =	vperm.xlane v23, v3;
	v24 =	vsel vm3, v24, v29;
	[tilespmem:s0+$0xB700] =	vst v22;
	v22 =	vmul.f32 v26, v14  }
0xce: {  	v25 =	vsel vm3, v25, v27;
	v24 =	vmul.f32 v24, v14;
	v26 =	vperm.xlane v7, v3;
	[tilespmem:s0+$0xB780] =	vst v30  }
0xcf: {  	v23 =	vsel vm3, v23, v28;
	[tilespmem:s0+$0xB800] =	vst v22;
	v22 =	vmul.f32 v25, v14;
	v25 =	vperm.xlane v12, v3  }
0xd0: {  	v23 =	vmul.f32 v23, v14;
	v12 =	vsel vm3, v26, v12;
	[tilespmem:s0+$0xB880] =	vst v24;
	v24 =	vperm.xlane v8, v3  }
0xd1: {  	[tilespmem:s0+$0xB900] =	vst v22;
	v7 =	vsel vm3, v7, v25;
	v22 =	vperm.xlane v11, v3;
	v25 =	vperm.xlane v9, v3  }
0xd2: {  	v6 =	vperm.xlane v6, v3;
	[tilespmem:s0+$0xB980] =	vst v23;
	v11 =	vsel vm3, v24, v11;
	v23 =	vperm.xlane v10, v3  }
0xd3: {  	v17 =	vmul.f32 v17, v4;
	v24 =	vld [tilespmem:s28+$0xFFFFFF10];
	v8 =	vsel vm3, v8, v22;
	v10 =	vsel vm3, v25, v10  }
0xd4: {  	v5 =	vsel vm3, v5, v6;
	v6 =	vmul.f32 v19, v4;
	v22 =	vld [tilespmem:s28+$0xFFFFFF30];
	v9 =	vsel vm3, v9, v23  }
0xd5: {  	v19 =	vld [tilespmem:s28+$0xFFFFFF50];
	[tilespmem:s26+$0xC600] =	vst v17;
	v17 =	vmul.f32 v20, v4;
	v20 =	vmul.f32 v21, v4  }
0xd6: {  	v21 =	vld [tilespmem:s28+$0xFFFFFF70];
	[tilespmem:s26+$0xC680] =	vst v6;
	v6 =	vmul.f32 v7, v4;
	v7 =	vmul.f32 v8, v4  }
0xd7: {  	v5 =	vmul.f32 v5, v4;
	v9 =	vmul.f32 v9, v4;
	v8 =	vld [tilespmem:s28+$0xFFFFFF90];
	[tilespmem:s26+$0xC700] =	vst v17  }
0xd8: {  	v13 =	vmul.f32 v13, v4;
	v15 =	vmul.f32 v15, v4;
	v17 =	vld [tilespmem:s28+$0xFFFFFFB0];
	[tilespmem:s26+$0xC780] =	vst v20  }
0xd9: {  	v20 =	vld [tilespmem:s28+$0xFFFFFFD0];
	v23 =	vperm.xlane v22, v0;
	[tilespmem:s26+$0xC800] =	vst v6;
	v6 =	vmul.f32 v16, v4  }
0xda: {  	v12 =	vmul.f32 v12, v4;
	v16 =	vld [tilespmem:s28+$0xFFFFFFF0];
	[tilespmem:s26+$0xC880] =	vst v7;
	v7 =	vmul.f32 v18, v4  }
0xdb: {  	v18 =	vld [tilespmem:s28+$0x10];
	v23 =	vsel vm0, v24, v23;
	v25 =	vperm.xlane v21, v0;
	[tilespmem:s26+$0xC900] =	vst v9;
	v9 =	vmul.f32 v11, v4  }
0xdc: {  	v11 =	vld [tilespmem:s28+$0x50];
	v26 =	vperm.xlane v23, v1;
	[tilespmem:s26+$0xC980] =	vst v5;
	v5 =	vmul.f32 v10, v4;
	v4 =	vmov v14  }
0xdd: {  	v10 =	vld [tilespmem:s28+$0x90];
	v14 =	vsel vm0, v19, v25;
	v25 =	vperm.xlane v17, v0;
	[tilespmem:s26+$0xD600] =	vst v13  }
0xde: {  	v13 =	vld [tilespmem:s28+$0xD0];
	v27 =	vperm.xlane v14, v1;
	v14 =	vsel vm1, v26, v14;
	[tilespmem:s26+$0xD680] =	vst v15  }
0xdf: {  	v24 =	vperm.xlane v24, v0;
	v15 =	vld [tilespmem:s28+$0x30];
	v25 =	vsel vm0, v8, v25;
	v26 =	vperm.xlane v16, v0;
	[tilespmem:s26+$0xD700] =	vst v6  }
0xe0: {  	v19 =	vperm.xlane v19, v0;
	v8 =	vperm.xlane v8, v0;
	v6 =	vld [tilespmem:s28+$0x70];
	v23 =	vsel vm1, v23, v27;
	[tilespmem:s26+$0xD780] =	vst v7  }
0xe1: {  	v27 =	vperm.xlane v20, v0;
	v7 =	vld [tilespmem:s28+$0xB0];
	v20 =	vsel vm0, v20, v26;
	v26 =	vperm.xlane v18, v0;
	[tilespmem:s26+$0xD800] =	vst v12  }
0xe2: {  	v12 =	vsel vm0, v24, v22;
	v22 =	vperm.xlane v11, v0;
	v24 =	vperm.xlane v10, v0;
	[tilespmem:s26+$0xD880] =	vst v9  }
0xe3: {  	v19 =	vsel vm0, v19, v21;
	v28 =	vperm.xlane v12, v1;
	v9 =	vld [tilespmem:s28+$0xF0];
	v21 =	vperm.xlane v13, v0;
	[tilespmem:s26+$0xD900] =	vst v5;
	s26 =	smov.u32 s0  }
0xe4: {  	v8 =	vsel vm0, v8, v17;
	v16 =	vsel vm0, v27, v16;
	v17 =	vsel vm0, v26, v15  }
0xe5: {  	v5 =	vperm.xlane v8, v1;
	v26 =	vsel vm1, v28, v19;
	v27 =	vperm.xlane v17, v1  }
0xe6: {  	v22 =	vsel vm0, v22, v6;
	v28 =	vperm.xlane v26, v2;
	v24 =	vsel vm0, v24, v7  }
0xe7: {  	v29 =	vsel vm1, v5, v16;
	v27 =	vsel vm1, v27, v22;
	v30 =	vperm.xlane v24, v1  }
0xe8: {  	v5 =	vsel vm2, v28, v29;
	v21 =	vsel vm0, v21, v9;
	v28 =	vperm.xlane v27, v2  }
0xe9: {  	v15 =	vperm.xlane v15, v0;
	v31 =	vperm.xlane v5, v3;
	v30 =	vsel vm1, v30, v21  }
0xea: {  	v32 =	vperm.xlane v6, v0;
	v7 =	vperm.xlane v7, v0;
	v6 =	vsel vm2, v28, v30  }
0xeb: {  	v15 =	vsel vm0, v18, v15;
	v9 =	vperm.xlane v9, v0;
	v18 =	vsel vm3, v31, v6  }
0xec: {  	v11 =	vsel vm0, v11, v32;
	v7 =	vsel vm0, v10, v7;
	v10 =	vmul.f32 v18, v4  }
0xed: {  	v9 =	vsel vm0, v13, v9;
	v13 =	vperm.xlane v19, v1;
	v18 =	vperm.xlane v25, v1  }
0xee: {  	v16 =	vperm.xlane v16, v1;
	v19 =	vperm.xlane v20, v1;
	[tilespmem:s26+$0xD980] =	vst v10  }
0xef: {  	v10 =	vsel vm1, v12, v13;
	v12 =	vperm.xlane v15, v1;
	v13 =	vperm.xlane v11, v1  }
0xf0: {  	v22 =	vperm.xlane v22, v1;
	v19 =	vsel vm1, v25, v19;
	v25 =	vperm.xlane v7, v1  }
0xf1: {  	v21 =	vperm.xlane v21, v1;
	v18 =	vsel vm1, v18, v20;
	v20 =	vperm.xlane v9, v1  }
0xf2: {  	v8 =	vsel vm1, v8, v16;
	v13 =	vsel vm1, v15, v13;
	v15 =	vsel vm1, v12, v11  }
0xf3: {  	v16 =	vsel vm1, v25, v9;
	v11 =	vsel vm1, v17, v22;
	v12 =	vsel vm1, v7, v20  }
0xf4: {  	s28 =	sadd.s32 $0x200, s28;
	v9 =	vperm.xlane v19, v2;
	v17 =	vsel vm1, v24, v21;
	v7 =	vperm.xlane v23, v2  }
0xf5: {  	v20 =	vperm.xlane v10, v2;
	v21 =	vperm.xlane v8, v2;
	v22 =	vld [tilespmem:s28+$0xFFFFFF00]  }
0xf6: {  	v25 =	vperm.xlane v18, v2;
	v23 =	vsel vm2, v23, v9;
	v9 =	vperm.xlane v14, v2;
	v24 =	vld [tilespmem:s28+$0xFFFFFF20]  }
0xf7: {  	v7 =	vsel vm2, v7, v19;
	v19 =	vperm.xlane v29, v2;
	v29 =	vperm.xlane v13, v2;
	v28 =	vld [tilespmem:s28+$0xFFFFFF40]  }
0xf8: {  	v32 =	vperm.xlane v11, v2;
	v21 =	vsel vm2, v10, v21;
	v10 =	vperm.xlane v12, v2;
	v31 =	vld [tilespmem:s28+$0xFFFFFF60]  }
0xf9: {  	v34 =	vperm.xlane v15, v2;
	v8 =	vsel vm2, v20, v8;
	v20 =	vperm.xlane v17, v2;
	v33 =	vld [tilespmem:s28+$0xFFFFFF80]  }
0xfa: {  	v30 =	vperm.xlane v30, v2;
	v14 =	vsel vm2, v14, v25;
	v25 =	vperm.xlane v16, v2;
	v35 =	vld [tilespmem:s28+$0xFFFFFFA0]  }
0xfb: {  	v9 =	vsel vm2, v9, v18;
	v18 =	vsel vm2, v26, v19;
	v13 =	vsel vm2, v13, v10;
	v36 =	vld [tilespmem:s28+$0xFFFFFFC0]  }
0xfc: {  	v12 =	vsel vm2, v29, v12;
	v20 =	vsel vm2, v11, v20;
	v11 =	vsel vm2, v32, v17;
	v26 =	vld [tilespmem:s28+$0xFFFFFFE0]  }
0xfd: {  	v27 =	vsel vm2, v27, v30;
	v25 =	vsel vm2, v15, v25;
	v10 =	vsel vm2, v34, v16;
	v29 =	vld [tilespmem:s28+$0x0]  }
0xfe: {  	v15 =	vperm.xlane v23, v3;
	v16 =	vperm.xlane v13, v3;
	v30 =	vld [tilespmem:s28+$0x20]  }
0xff: {  	v34 =	vperm.xlane v21, v3;
	v19 =	vperm.xlane v20, v3;
	v32 =	vld [tilespmem:s28+$0x40]  }
0x100: {  	v17 =	vsel vm3, v23, v16;
	v16 =	vperm.xlane v14, v3;
	v23 =	vperm.xlane v25, v3;
	v37 =	vld [tilespmem:s28+$0x60]  }
0x101: {  	v40 =	vperm.xlane v27, v3;
	v13 =	vsel vm3, v15, v13;
	v39 =	vperm.xlane v18, v3;
	v38 =	vld [tilespmem:s28+$0x80]  }
0x102: {  	v19 =	vsel vm3, v21, v19;
	v42 =	vperm.xlane v22, v0;
	v43 =	vperm.xlane v24, v0;
	v41 =	vld [tilespmem:s28+$0xA0]  }
0x103: {  	v15 =	vsel vm3, v34, v20;
	v45 =	vperm.xlane v28, v0;
	v46 =	vperm.xlane v31, v0;
	v44 =	vld [tilespmem:s28+$0xC0]  }
0x104: {  	v20 =	vsel vm3, v14, v23;
	v47 =	vperm.xlane v33, v0;
	v48 =	vperm.xlane v35, v0;
	v34 =	vld [tilespmem:s28+$0xE0]  }
0x105: {  	v16 =	vsel vm3, v16, v25;
	v14 =	vperm.xlane v36, v0;
	v23 =	vperm.xlane v26, v0  }
0x106: {  	v21 =	vsel vm3, v18, v40;
	v25 =	vperm.xlane v29, v0;
	v49 =	vperm.xlane v30, v0  }
0x107: {  	v18 =	vsel vm3, v39, v27;
	v40 =	vperm.xlane v32, v0;
	v50 =	vperm.xlane v37, v0  }
0x108: {  	v27 =	vperm.xlane v38, v0;
	v39 =	vperm.xlane v41, v0  }
0x109: {  	v51 =	vperm.xlane v44, v0;
	v52 =	vperm.xlane v34, v0  }
0x10a: {  	v24 =	vsel vm0, v42, v24;
	v22 =	vsel vm0, v22, v43;
	v28 =	vsel vm0, v28, v46  }
0x10b: {  	v31 =	vsel vm0, v45, v31;
	v35 =	vsel vm0, v47, v35;
	v33 =	vsel vm0, v33, v48  }
0x10c: {  	v14 =	vsel vm0, v14, v26;
	v23 =	vsel vm0, v36, v23;
	v26 =	vsel vm0, v29, v49  }
0x10d: {  	v25 =	vsel vm0, v25, v30;
	v30 =	vperm.xlane v28, v1;
	v29 =	vperm.xlane v22, v1  }
0x10e: {  	v42 =	vperm.xlane v31, v1;
	v36 =	vperm.xlane v24, v1;
	v32 =	vsel vm0, v32, v50  }
0x10f: {  	v43 =	vperm.xlane v23, v1;
	v37 =	vsel vm0, v40, v37;
	v40 =	vperm.xlane v33, v1  }
0x110: {  	v45 =	vperm.xlane v14, v1;
	v38 =	vsel vm0, v38, v39;
	v39 =	vperm.xlane v35, v1  }
0x111: {  	v27 =	vsel vm0, v27, v41;
	v41 =	vperm.xlane v26, v1;
	v46 =	vperm.xlane v32, v1  }
0x112: {  	v47 =	vperm.xlane v25, v1;
	v48 =	vperm.xlane v37, v1;
	v44 =	vsel vm0, v44, v52  }
0x113: {  	v34 =	vsel vm0, v51, v34;
	v49 =	vperm.xlane v38, v1;
	v50 =	vperm.xlane v44, v1  }
0x114: {  	v22 =	vsel vm1, v22, v30;
	v30 =	vperm.xlane v27, v1;
	v51 =	vperm.xlane v34, v1  }
0x115: {  	v24 =	vsel vm1, v24, v42;
	v28 =	vsel vm1, v29, v28;
	v29 =	vsel vm1, v36, v31  }
0x116: {  	v31 =	vsel vm1, v33, v43;
	v33 =	vsel vm1, v35, v45;
	v23 =	vsel vm1, v40, v23  }
0x117: {  	v36 =	vsel vm1, v26, v46;
	v35 =	vsel vm1, v39, v14;
	v14 =	vperm.xlane v22, v2  }
0x118: {  	v26 =	vperm.xlane v31, v2;
	v39 =	vsel vm1, v41, v32;
	v32 =	vperm.xlane v24, v2  }
0x119: {  	v40 =	vsel vm1, v25, v48;
	v25 =	vperm.xlane v33, v2;
	v41 =	vperm.xlane v28, v2  }
0x11a: {  	v37 =	vsel vm1, v47, v37;
	v43 =	vperm.xlane v29, v2;
	v42 =	vperm.xlane v23, v2  }
0x11b: {  	v46 =	vperm.xlane v36, v2;
	v45 =	vperm.xlane v35, v2;
	v38 =	vsel vm1, v38, v50  }
0x11c: {  	v48 =	vperm.xlane v40, v2;
	v27 =	vsel vm1, v27, v51;
	v47 =	vperm.xlane v38, v2  }
0x11d: {  	v44 =	vsel vm1, v49, v44;
	v49 =	vperm.xlane v27, v2;
	v50 =	vperm.xlane v39, v2  }
0x11e: {  	v52 =	vperm.xlane v37, v2;
	v51 =	vsel vm1, v30, v34;
	v34 =	vperm.xlane v44, v2  }
0x11f: {  	v22 =	vsel vm2, v22, v26;
	v26 =	vsel vm2, v14, v31;
	v53 =	vperm.xlane v51, v2  }
0x120: {  	s29 =	sadd.s32 $0x10, s29;
	v54 =	vsel vm2, v24, v25;
	v24 =	vsel vm2, v32, v33;
	v31 =	vsel vm2, v28, v42  }
0x121: {  	v25 =	vsel vm2, v41, v23;
	v23 =	vsel vm2, v43, v35;
	v32 =	vsel vm2, v29, v45;
	v14 =	vld [tilespmem:s29+$0x0]  }
0x122: {  	v30 =	vsel vm2, v46, v38;
	v35 =	vsel vm2, v40, v49;
	v36 =	vsel vm2, v36, v47  }
0x123: {  	v29 =	vsel vm2, v48, v27;
	v34 =	vsel vm2, v39, v34;
	v38 =	vperm.xlane v36, v3  }
0x124: {  	v27 =	vsel vm2, v50, v44;
	v33 =	vsel vm2, v37, v53;
	v37 =	vperm.xlane v35, v3  }
0x125: {  	s30 =	sadd.s32 $0x10, s30;
	v28 =	vsel vm2, v52, v51;
	v39 =	vperm.xlane v34, v3;
	v38 =	vsel vm3, v22, v38  }
0x126: {  	s3 =	sand.u32 $0xC00, s31;
	s0 =	sand.u32 $0x70, s30;
	v40 =	vperm.xlane v33, v3;
	v37 =	vsel vm3, v54, v37;
	v38 =	vmul.f32 v38, v14  }
0x127: {  	s0 =	sor.u32 s0, s3;
	v41 =	vperm.xlane v30, v3;
	v39 =	vsel vm3, v31, v39;
	v37 =	vmul.f32 v37, v14  }
.Ltmp0:
0x128: {  	v42 =	vperm.xlane v29, v3;
	v40 =	vsel vm3, v32, v40;
	[tilespmem:s0+$0xA600] =	vst v38;
	v38 =	vmul.f32 v39, v14;
	(pc) =	sbr.rel @p0 .LBB2_3-.Ltmp0, $4  }
0x129: {  	v39 =	vsel vm3, v26, v41;
	v41 =	vperm.xlane v27, v3;
	[tilespmem:s0+$0xA680] =	vst v37;
	v37 =	vmul.f32 v40, v14  }
0x12a: {  	v40 =	vsel vm3, v24, v42;
	v42 =	vperm.xlane v28, v3;
	v39 =	vmul.f32 v39, v14;
	[tilespmem:s0+$0xA700] =	vst v38  }
0x12b: {  	v22 =	vperm.xlane v22, v3;
	v41 =	vsel vm3, v25, v41;
	v38 =	vmul.f32 v40, v14;
	[tilespmem:s0+$0xA780] =	vst v37  }
0x12c: {  	s31 =	sadd.s32 $0x80, s31;
	v37 =	vperm.xlane v54, v3;
	v40 =	vsel vm3, v23, v42;
	[tilespmem:s0+$0xA800] =	vst v39;
	v39 =	vmul.f32 v41, v14  }
0x12d: {  	v22 =	vsel vm3, v22, v36;
	v31 =	vperm.xlane v31, v3;
	[tilespmem:s0+$0xA880] =	vst v38;
	v60 =	vmul.f32 v40, v14  }
0x12e: {  	v32 =	vperm.xlane v32, v3;
	v35 =	vsel vm3, v37, v35;
	[tilespmem:s0+$0xA900] =	vst v39;
	v22 =	vmul.f32 v22, v14  }
0x12f: {  	v26 =	vperm.xlane v26, v3;
	v31 =	vsel vm3, v31, v34;
	[tilespmem:s0+$0xA980] =	vst v60;
	v61 =	vmul.f32 v35, v14  }
0x130: {  	v24 =	vperm.xlane v24, v3;
	v32 =	vsel vm3, v32, v33;
	[tilespmem:s0+$0xB600] =	vst v22;
	v62 =	vmul.f32 v31, v14  }
0x131: {  	v25 =	vperm.xlane v25, v3;
	v26 =	vsel vm3, v26, v30;
	v63 =	vmul.f32 v32, v14;
	[tilespmem:s0+$0xB680] =	vst v61  }
0x132: {  	v23 =	vperm.xlane v23, v3;
	v24 =	vsel vm3, v24, v29;
	v31 =	vmul.f32 v26, v14;
	[tilespmem:s0+$0xB700] =	vst v62  }
0x133: {  	v25 =	vsel vm3, v25, v27;
	v24 =	vmul.f32 v24, v14;
	[tilespmem:s0+$0xB780] =	vst v63  }
0x134: {  	v23 =	vsel vm3, v23, v28;
	v32 =	vmul.f32 v25, v14;
	[tilespmem:s0+$0xB800] =	vst v31  }
0x135: {  	v36 =	vperm.xlane v11, v3;
	v23 =	vmul.f32 v23, v14;
	[tilespmem:s0+$0xB880] =	vst v24  }
0x136: {  	v6 =	vperm.xlane v6, v3;
	v17 =	vmul.f32 v17, v4;
	[tilespmem:s0+$0xB900] =	vst v32  }
0x137: {  	v19 =	vmul.f32 v19, v4;
	v20 =	vmul.f32 v20, v4;
	[tilespmem:s0+$0xB980] =	vst v23  }
0x138: {  	v21 =	vmul.f32 v21, v4;
	v13 =	vmul.f32 v13, v4;
	v40 =	vld [tilespmem:s28+$0xFFFFFF10]  }
0x139: {  	v15 =	vmul.f32 v15, v4;
	v16 =	vmul.f32 v16, v4;
	v42 =	vld [tilespmem:s28+$0xFFFFFF30]  }
0x13a: {  	v18 =	vmul.f32 v18, v4;
	v37 =	vperm.xlane v9, v3;
	v44 =	vld [tilespmem:s28+$0xFFFFFF70]  }
0x13b: {  	v39 =	vperm.xlane v10, v3;
	v33 =	vperm.xlane v7, v3;
	v50 =	vld [tilespmem:s28+$0xFFFFFF50]  }
0x13c: {  	v34 =	vperm.xlane v12, v3;
	v35 =	vperm.xlane v8, v3;
	v51 =	vld [tilespmem:s28+$0xFFFFFF90]  }
0x13d: {  	v41 =	vsel vm3, v8, v36;
	v5 =	vsel vm3, v5, v6;
	v43 =	vsel vm3, v9, v39;
	v25 =	vld [tilespmem:s28+$0xFFFFFFB0]  }
0x13e: {  	v8 =	vmul.f32 v41, v4;
	v5 =	vmul.f32 v5, v4;
	v56 =	vsel vm3, v37, v10;
	v55 =	vld [tilespmem:s28+$0xFFFFFFF0]  }
0x13f: {  	v38 =	vsel vm3, v7, v34;
	v9 =	vmul.f32 v43, v4;
	v52 =	vsel vm3, v33, v12;
	v57 =	vld [tilespmem:s28+$0xFFFFFFD0]  }
0x140: {  	v53 =	vsel vm3, v35, v11;
	v7 =	vmul.f32 v38, v4;
	v12 =	vmul.f32 v52, v4;
	v60 =	vld [tilespmem:s28+$0x50]  }
0x141: {  	v11 =	vmul.f32 v53, v4;
	v4 =	vmul.f32 v56, v4;
	v63 =	vld [tilespmem:s28+$0x90]  }
0x142: {  	v48 =	vld [tilespmem:s28+$0x30];
	v54 =	vperm.xlane v42, v0;
	v58 =	vperm.xlane v44, v0  }
0x143: {  	v59 =	vld [tilespmem:s28+$0x10];
	v45 =	vperm.xlane v25, v0;
	v24 =	vperm.xlane v40, v0  }
0x144: {  	v36 =	vld [tilespmem:s28+$0xD0];
	v47 =	vperm.xlane v55, v0;
	v6 =	vperm.xlane v50, v0  }
0x145: {  	v38 =	vld [tilespmem:s28+$0x70];
	v28 =	vperm.xlane v51, v0;
	v49 =	vperm.xlane v57, v0  }
0x146: {  	v52 =	vperm.xlane v60, v0;
	v53 =	vperm.xlane v63, v0  }
0x147: {  	v37 =	vperm.xlane v48, v0;
	v26 =	vsel vm0, v40, v54;
	v62 =	vsel vm0, v50, v58  }
0x148: {  	v34 =	vsel vm0, v51, v45;
	v27 =	vsel vm0, v57, v47;
	v51 =	vperm.xlane v59, v0  }
0x149: {  	v41 =	vld [tilespmem:s28+$0xF0];
	v22 =	vsel vm0, v24, v42;
	v6 =	vsel vm0, v6, v44;
	v42 =	vperm.xlane v36, v0  }
0x14a: {  	v25 =	vsel vm0, v28, v25;
	v24 =	vsel vm0, v52, v38;
	v38 =	vperm.xlane v38, v0  }
0x14b: {  	v55 =	vsel vm0, v49, v55;
	v61 =	vperm.xlane v26, v1;
	v46 =	vperm.xlane v62, v1  }
0x14c: {  	v31 =	vsel vm0, v59, v37;
	v54 =	vperm.xlane v22, v1;
	v57 =	vperm.xlane v25, v1  }
0x14d: {  	v28 =	vperm.xlane v55, v1;
	v45 =	vperm.xlane v31, v1;
	v56 =	vsel vm0, v51, v48  }
0x14e: {  	v50 =	vld [tilespmem:s28+$0xB0];
	v42 =	vsel vm0, v42, v41;
	v41 =	vperm.xlane v41, v0;
	v32 =	vsel vm0, v60, v38  }
0x14f: {  	v10 =	vsel vm1, v61, v62;
	v26 =	vsel vm1, v26, v46;
	v23 =	vsel vm1, v54, v6  }
0x150: {  	v39 =	vperm.xlane v56, v1;
	v35 =	vsel vm1, v57, v55;
	v6 =	vperm.xlane v6, v1  }
0x151: {  	v61 =	vperm.xlane v27, v1;
	v44 =	vperm.xlane v32, v1;
	v25 =	vsel vm1, v25, v28  }
0x152: {  	v46 =	vperm.xlane v24, v1;
	v49 =	vsel vm1, v45, v32;
	v51 =	vperm.xlane v42, v1  }
0x153: {  	v43 =	vperm.xlane v23, v2;
	v60 =	vsel vm0, v36, v41;
	v40 =	vsel vm0, v53, v50  }
0x154: {  	v39 =	vsel vm1, v39, v24;
	v33 =	vperm.xlane v50, v0;
	v6 =	vsel vm1, v22, v6  }
0x155: {  	[tilespmem:s26+$0xC600] =	vst v17;
	v47 =	vsel vm1, v31, v44;
	v48 =	vperm.xlane v60, v1;
	v17 =	vsel vm1, v56, v46  }
0x156: {  	v56 =	vperm.xlane v26, v2;
	v58 =	vperm.xlane v40, v1;
	v43 =	vsel vm2, v43, v35  }
0x157: {  	v59 =	vperm.xlane v39, v2;
	v55 =	vsel vm1, v40, v51;
	v57 =	vperm.xlane v6, v2  }
0x158: {  	v30 =	vsel vm0, v63, v33;
	v62 =	vperm.xlane v43, v3;
	v63 =	vperm.xlane v34, v1  }
0x159: {  	[tilespmem:s26+$0xC680] =	vst v19;
	v34 =	vsel vm1, v34, v61;
	v61 =	vperm.xlane v35, v2;
	v33 =	vperm.xlane v55, v2  }
0x15a: {  	[tilespmem:s26+$0xC700] =	vst v20;
	v37 =	vsel vm1, v58, v42;
	v50 =	vperm.xlane v30, v1;
	v52 =	vsel vm1, v30, v48  }
0x15b: {  	[tilespmem:s26+$0xC780] =	vst v21;
	v53 =	vperm.xlane v34, v2;
	v58 =	vperm.xlane v25, v2;
	v29 =	vsel vm2, v56, v34  }
0x15c: {  	[tilespmem:s26+$0xC800] =	vst v7;
	v7 =	vsel vm2, v57, v25;
	v34 =	vperm.xlane v49, v2;
	v36 =	vsel vm2, v59, v37  }
0x15d: {  	[tilespmem:s26+$0xC980] =	vst v5;
	v22 =	vsel vm1, v63, v27;
	v59 =	vperm.xlane v10, v2;
	v5 =	vperm.xlane v52, v2  }
0x15e: {  	[tilespmem:s26+$0xC900] =	vst v9;
	v63 =	vperm.xlane v17, v2;
	v40 =	vperm.xlane v37, v2;
	v9 =	vsel vm2, v23, v61  }
0x15f: {  	[tilespmem:s26+$0xD600] =	vst v13;
	v13 =	vsel vm2, v17, v33;
	v38 =	vsel vm3, v62, v36;
	v54 =	vsel vm1, v50, v60  }
0x160: {  	[tilespmem:s26+$0xD680] =	vst v15;
	v26 =	vsel vm2, v26, v53;
	v60 =	vperm.xlane v22, v2;
	v62 =	vperm.xlane v47, v2  }
0x161: {  	[tilespmem:s26+$0xD700] =	vst v16;
	v6 =	vsel vm2, v6, v58;
	v38 =	vmul.f32 v38, v14;
	v35 =	vperm.xlane v54, v2  }
0x162: {  	[tilespmem:s26+$0xC880] =	vst v8;
	v8 =	vsel vm2, v59, v22;
	v5 =	vsel vm2, v47, v5;
	v42 =	vsel vm2, v63, v55  }
0x163: {  	[tilespmem:s26+$0xD780] =	vst v18;
	v46 =	vsel vm2, v34, v54;
	v47 =	vperm.xlane v13, v3;
	v48 =	vsel vm2, v39, v40  }
0x164: {  	[tilespmem:s26+$0xD800] =	vst v12;
	v56 =	vperm.xlane v26, v3;
	v10 =	vsel vm2, v10, v60;
	v41 =	vsel vm2, v62, v52  }
0x165: {  	[tilespmem:s26+$0xD900] =	vst v4;
	v44 =	vperm.xlane v5, v3;
	v4 =	vperm.xlane v48, v3;
	v19 =	vsel vm3, v6, v47  }
0x166: {  	[tilespmem:s26+$0xD880] =	vst v11;
	v51 =	vperm.xlane v42, v3;
	v5 =	vsel vm3, v56, v5;
	v19 =	vmul.f32 v19, v14  }
0x167: {  	v54 =	vperm.xlane v46, v3;
	[tilespmem:s0+$0xD980] =	vst v38;
	v18 =	vsel vm3, v26, v44;
	v5 =	vmul.f32 v5, v14  }
0x168: {  	v45 =	vsel vm2, v49, v35;
	v4 =	vsel vm3, v9, v4;
	v18 =	vmul.f32 v18, v14;
	[tilespmem:s0+$0xC680] =	vst v19  }
0x169: {  	v49 =	vperm.xlane v45, v3;
	v22 =	vsel vm3, v7, v51;
	v4 =	vmul.f32 v4, v14;
	[tilespmem:s0+$0xD600] =	vst v5  }
0x16a: {  	v50 =	vperm.xlane v41, v3;
	v21 =	vsel vm3, v8, v54;
	v22 =	vmul.f32 v22, v14;
	[tilespmem:s0+$0xC600] =	vst v18  }
0x16b: {  	v55 =	vperm.xlane v36, v3;
	v58 =	vmul.f32 v21, v14;
	v20 =	vsel vm3, v10, v49;
	[tilespmem:s0+$0xC780] =	vst v4  }
0x16c: {  	v59 =	vperm.xlane v29, v3;
	v53 =	vsel vm3, v29, v50;
	v52 =	vmul.f32 v20, v14;
	[tilespmem:s0+$0xC880] =	vst v22  }
0x16d: {  	v57 =	vsel vm3, v43, v55;
	v8 =	vperm.xlane v8, v3;
	v20 =	vmul.f32 v53, v14;
	[tilespmem:s0+$0xC900] =	vst v58  }
0x16e: {  	v5 =	vsel vm3, v59, v41;
	v4 =	vperm.xlane v6, v3;
	v6 =	vmul.f32 v57, v14;
	[tilespmem:s0+$0xC700] =	vst v52  }
0x16f: {  	v10 =	vperm.xlane v10, v3;
	v62 =	vsel vm3, v8, v46;
	v5 =	vmul.f32 v5, v14;
	[tilespmem:s0+$0xC800] =	vst v20  }
0x170: {  	v9 =	vperm.xlane v9, v3;
	v63 =	vmul.f32 v62, v14;
	v4 =	vsel vm3, v4, v13;
	[tilespmem:s0+$0xC980] =	vst v6  }
0x171: {  	v7 =	vperm.xlane v7, v3;
	v10 =	vsel vm3, v10, v45;
	[tilespmem:s0+$0xD800] =	vst v5;
	v4 =	vmul.f32 v4, v14  }
0x172: {  	v60 =	vsel vm3, v9, v48;
	v61 =	vmul.f32 v10, v14;
	[tilespmem:s0+$0xD900] =	vst v63  }
0x173: {  	v6 =	vmul.f32 v60, v14;
	[tilespmem:s0+$0xD680] =	vst v4;
	v4 =	vsel vm3, v7, v42  }
0x174: {  	s3 =	sshll.u32 s25, $0x10;
	[tilespmem:s0+$0xD700] =	vst v61;
	v4 =	vmul.f32 v4, v14  }
0x175: {  	s3 =	sor.u32 s5, s3;
	[tilespmem:s0+$0xD780] =	vst v6  }
0x176: {  	s25 =	sadd.s32 $0x1, s25;
	s28 =	sadd.s32 s1, s3;
	[tilespmem:s0+$0xD880] =	vst v4  }
0x177: {  	[hbm4b:s28+s2] =	stream.linear.scatter [tilespmem:s19], [sflag:$0x3], $0x1000, $0x38;
	[tilespmem:$0xE600] =	vst v63  }
0x178: {  	p0 =	sne.s32 s25, $0x32;
	s29 =	sadd.s32 s3, s8  }
0x179: {  	[hbm4b:s29+s2] =	stream.linear.scatter [tilespmem:s20], [sflag:$0x3], $0x1000, $0x38;
	[tilespmem:$0xE600] =	vst v63  }
.Ltmp1:
0x17a: {  	_ = 	snop;
	(pc) =	sbr.rel @p0 .LBB2_2-.Ltmp1, $4  }
0x17b: {  	s30 =	sadd.s32 s3, s9  }
0x17c: {  	[hbm4b:s30+s2] =	stream.linear.scatter [tilespmem:s21], [sflag:$0x3], $0x1000, $0x38;
	[tilespmem:$0xE600] =	vst v63  }
0x17d: {  	s31 =	sadd.s32 s3, s10  }
0x17e: {  	[hbm4b:s31+s2] =	stream.linear.scatter [tilespmem:s22], [sflag:$0x3], $0x1000, $0x38;
	[tilespmem:$0xE600] =	vst v63  }
0x17f: {  	_ =	swait.ge [sflag:s23], $0x1000  }
0x180: {  	[sflag:s23] =	ssyncset.done $0x0  }
0x181: {  	[sflag:s23] =	ssyncadd.s32 $0xFFFFF000  }
0x182: {  	_ =	swait.ge [sflag:s23], $0x1000  }
0x183: {  	[sflag:s23] =	ssyncset.done $0x0  }
0x184: {  	s24 =	sadd.s32 $0x1, s24;
	[sflag:s23] =	ssyncadd.s32 $0xFFFFF000  }
0x185: {  	p0 =	sne.s32 s24, s11;
	_ =	swait.ge [sflag:s23], $0x1000  }
.Ltmp2:
0x186: {  	[sflag:s23] =	ssyncset.done $0x0;
	(pc) =	sbr.rel @p0 .LBB2_1-.Ltmp2, $4  }
0x187: {  	[sflag:s23] =	ssyncadd.s32 $0xFFFFF000  }
0x188: {  	_ =	swait.ge [sflag:s23], $0x1000  }
0x189: {  	[sflag:s23] =	ssyncset.done $0x0  }
0x18a: {  	[sflag:s23] =	ssyncadd.s32 $0xFFFFF000  }
0x18b: {  	_ =	sfence.sel $0x180000  }
0x18c: {  	[bflag:$0x0] =	sbarrier.arrive $0xFFFF  }
0x18d: {  	_ =	strace $0x90000047  }
0x18e: {  	s0 =	stileid.u32;
	[bflag:$0x2] =	sbarrier.arrive $0xFFFF  }
0x18f: {  	p0 =	sne.s32 s0, $0x0;
	s0 =	rddreg [dreg:$0x2]  }
0x190: {  	s0 =	sadd.s32 @!p0 $0x100000, s0  }
0x191: {  	[sflag:s0] =	ssyncadd.tile.s32 @!p0 $0x1;
	_ =	shalt  }
.Lfunc_end2:
_tile_overlayer_lowered:
.L_overlay_start_2:
0x192: {  	(tag) =	ssettag $0x2  }
0x193: {  	s0 =	rddreg [dreg:$0x0];
	s2 =	stileid.u32  }
0x194: {  	s1 =	rddreg [dreg:$0x1];
	p0 =	sne.s32 s2, $0x0  }
0x195: {  	s3 =	rddreg [dreg:$0x2];
	[bflag:$0x3] =	sbarrier.arrive $0xFFFF;
	s2 =	simm.s32 @!p0 $0x1C04  }
0x196: {  	[timem:s3], [sflag:s2] =	dma.local @!p0 [hbm:s0], s1  }
0x197: {  	s0 =	simm.s32 @!p0 $0x4  }
0x198: {  	_ =	swait.ge @!p0 [sflag:s0], s1  }
0x199: {  	s1 =	ssub.s32 @!p0 $0x0, s1;
	[sflag:s0] =	ssyncset.done @!p0 $0x0  }
0x19a: {  	[sflag:s0] =	ssyncadd.s32 @!p0 s1  }
0x19b: {  	[bflag:$0x3] =	sbarrier.arrive $0xFFFF  }
0x19c: {  	_ =	shalt  }

</sc_bundles>
